<compile_context>
chip_gen: v7x
topology: tpu7x:2x2x1
jax: 0.10.2.dev20260603
libtpu: 0.0.44.dev20260713+nightly
codegen_flags: <defaults>
</compile_context>

<pallas_src>
import functools

import jax
import jax.numpy as jnp
from jax import lax
from jax.experimental import pallas as pl
from jax.experimental.pallas import tpu as pltpu
from jax.experimental.pallas import tpu_sc as plsc

N = 10000
E = 320000
C = 128
N_P = 10240

NC = 2
NS = 16
NW = NC * NS
EPW = E // NW
CHUNK = 80
NCHUNK = EPW // CHUNK
RCHUNK = N_P // CHUNK
RPS = RCHUNK // NS

_mesh = plsc.VectorSubcoreMesh(
    core_axis_name="c", subcore_axis_name="s", num_cores=NC, num_subcores=NS
)


def _fill_vec16(ref, nwords, value):
    val = jnp.full((16,), value, dtype=jnp.float32)

    @pl.loop(0, nwords // 16)
    def _(i):
        ref[pl.ds(i * 16, 16)] = val


NPS = N_P // NS


@functools.partial(
    pl.kernel,
    out_type=jax.ShapeDtypeStruct((NC * N_P,), jnp.float32),
    mesh=_mesh,
    scratch_types=[
        pltpu.VMEM((EPW,), jnp.int32),
        pltpu.VMEM((CHUNK,), jnp.float32),
        pltpu.VMEM((NPS,), jnp.float32),
        pltpu.VMEM_SHARED((N_P,), jnp.float32),
        pltpu.SemaphoreType.DMA,
        pltpu.SemaphoreType.DMA,
    ],
)
def _deg_kernel(col_hbm, out_hbm, cidx_all, ones_v, tmp_v, deg_sh, semi, sems):
    cid = lax.axis_index("c")
    sid = lax.axis_index("s")
    wid = sid * NC + cid

    coff = pl.multiple_of(wid * EPW, 8)
    idx_load = pltpu.async_copy(col_hbm.at[pl.ds(coff, EPW)], cidx_all, semi)

    _fill_vec16(ones_v, CHUNK, 1.0)
    _fill_vec16(tmp_v, NPS, 0.0)

    pltpu.sync_copy(tmp_v, deg_sh.at[pl.ds(sid * NPS, NPS)])
    idx_load.wait()
    plsc.subcore_barrier()

    @pl.loop(0, NCHUNK // 5)
    def _(m):
        ds_ = []
        for k in range(5):
            ix = cidx_all.at[pl.ds((m * 5 + k) * CHUNK, CHUNK)]
            ds_.append(pltpu.async_copy(ones_v, deg_sh.at[ix], sems, add=True))
        for d in ds_:
            d.wait()

    plsc.subcore_barrier()

    pltpu.sync_copy(deg_sh.at[pl.ds(sid * NPS, NPS)], tmp_v)
    oo = pl.multiple_of(cid * N_P + sid * NPS, 8)
    pltpu.sync_copy(tmp_v, out_hbm.at[pl.ds(oo, NPS)])


@functools.partial(
    pl.kernel,
    out_type=jax.ShapeDtypeStruct((NC, N_P, C), jnp.float32),
    mesh=_mesh,
    scratch_types=[
        pltpu.VMEM((EPW,), jnp.int32),
        pltpu.VMEM((CHUNK,), jnp.int32),
        pltpu.VMEM((CHUNK,), jnp.int32),
        pltpu.VMEM((CHUNK,), jnp.int32),
        pltpu.VMEM((CHUNK, C), jnp.float32),
        pltpu.VMEM((CHUNK, C), jnp.float32),
        pltpu.VMEM((CHUNK, C), jnp.float32),
        pltpu.VMEM_SHARED((N_P, C), jnp.float32),
        pltpu.SemaphoreType.DMA,
        pltpu.SemaphoreType.DMA,
        pltpu.SemaphoreType.DMA,
        pltpu.SemaphoreType.DMA,
        pltpu.SemaphoreType.DMA,
        pltpu.SemaphoreType.DMA,
        pltpu.SemaphoreType.DMA,
        pltpu.SemaphoreType.DMA,
        pltpu.SemaphoreType.DMA,
        pltpu.SemaphoreType.DMA,
    ],
)
def _agg_kernel(
    g_hbm, row_hbm, col_hbm, out_hbm,
    ridx_all, ci0, ci1, ci2, rw0, rw1, rw2, acc_sh,
    semi, sc0, sc1, sc2, sg0, sg1, sg2, ss0, ss1, ss2,
):
    cid = lax.axis_index("c")
    sid = lax.axis_index("s")
    wid = sid * NC + cid
    base = wid * EPW

    CI = (ci0, ci1, ci2)
    RW = (rw0, rw1, rw2)
    SC_ = (sc0, sc1, sc2)
    SG = (sg0, sg1, sg2)
    SS = (ss0, ss1, ss2)

    def fire_cidx(ch, b):
        co = pl.multiple_of(base + ch * CHUNK, 8)
        pltpu.async_copy(col_hbm.at[pl.ds(co, CHUNK)], CI[b], SC_[b])

    def wait_cidx(ch, b):
        co = pl.multiple_of(base + ch * CHUNK, 8)
        pltpu.make_async_copy(col_hbm.at[pl.ds(co, CHUNK)], CI[b], SC_[b]).wait()

    def fire_gather(ch, b):
        pltpu.async_copy(
            g_hbm.at[ridx_all.at[pl.ds(ch * CHUNK, CHUNK)]], RW[b], SG[b]
        )

    def wait_gather(ch, b):
        pltpu.make_async_copy(
            g_hbm.at[ridx_all.at[pl.ds(ch * CHUNK, CHUNK)]], RW[b], SG[b]
        ).wait()

    def fire_scatter(b):
        pltpu.async_copy(RW[b], acc_sh.at[CI[b]], SS[b], add=True)

    def wait_scatter(b):
        pltpu.make_async_copy(RW[b], acc_sh.at[CI[b]], SS[b]).wait()

    roff = pl.multiple_of(base, 8)
    rload = pltpu.async_copy(row_hbm.at[pl.ds(roff, EPW)], ridx_all, semi)
    for b in range(3):
        fire_cidx(b, b)

    zval = jnp.zeros((16,), jnp.float32)

    @pl.loop(0, CHUNK)
    def _(r):
        for c16 in range(C // 16):
            rw0[r, pl.ds(c16 * 16, 16)] = zval

    @pl.loop(sid * RPS, (sid + 1) * RPS)
    def _(j):
        pltpu.sync_copy(rw0, acc_sh.at[pl.ds(j * CHUNK, CHUNK), :])

    rload.wait()
    for b in range(3):
        fire_gather(b, b)
    plsc.subcore_barrier()

    @pl.loop(0, (NCHUNK - 2) // 3)
    def _(t):
        for k in range(3):
            i = 3 * t + k
            nb = (k + 1) % 3

            @pl.when(i >= 2)
            def _():
                wait_scatter(nb)
                fire_cidx(i + 1, nb)
                fire_gather(i + 1, nb)

            wait_gather(i, k)
            wait_cidx(i, k)
            fire_scatter(k)

    i0 = NCHUNK - 2
    wait_scatter(1)
    fire_cidx(i0 + 1, 1)
    fire_gather(i0 + 1, 1)
    wait_gather(i0, 0)
    wait_cidx(i0, 0)
    fire_scatter(0)

    wait_gather(i0 + 1, 1)
    wait_cidx(i0 + 1, 1)
    fire_scatter(1)

    wait_scatter(2)
    wait_scatter(0)
    wait_scatter(1)

    plsc.subcore_barrier()

    o = pl.multiple_of(sid * (N_P // NS), 8)
    pltpu.sync_copy(acc_sh.at[pl.ds(o, N_P // NS), :],
                    out_hbm.at[cid, pl.ds(o, N_P // NS), :])


B2 = 2048
GRID2 = N_P // B2
B4 = 2048
GRID4 = N_P // B4


def _k2_body(deg0_ref, deg1_ref, x_ref, w_ref, g_ref):
    s = jnp.sqrt(deg0_ref[...] + deg1_ref[...])
    h = lax.dot_general(
        x_ref[...], w_ref[...], (((1,), (1,)), ((), ())),
        preferred_element_type=jnp.float32,
    )
    g_ref[...] = h * s[:, None]


def _k4_body(s_part_ref, deg0_ref, deg1_ref, lb_ref, fw_ref, fb_ref, out_ref):
    sp = s_part_ref[...]
    st = sp[0] + sp[1]
    s = jnp.sqrt(deg0_ref[...] + deg1_ref[...])
    a = st * s[:, None] + lb_ref[...][None, :]
    out_ref[...] = (
        lax.dot_general(
            a, fw_ref[...], (((1,), (1,)), ((), ())),
            preferred_element_type=jnp.float32,
        )
        + fb_ref[...][None, :]
    )


_k2 = pl.pallas_call(
    _k2_body,
    out_shape=jax.ShapeDtypeStruct((N_P, C), jnp.float32),
    grid=(GRID2,),
    in_specs=[
        pl.BlockSpec((B2,), lambda i: (i,)),
        pl.BlockSpec((B2,), lambda i: (i + GRID2,)),
        pl.BlockSpec((B2, C), lambda i: (i, 0)),
        pl.BlockSpec((C, C), lambda i: (0, 0)),
    ],
    out_specs=pl.BlockSpec((B2, C), lambda i: (i, 0)),
)

_k4 = pl.pallas_call(
    _k4_body,
    out_shape=jax.ShapeDtypeStruct((N, C), jnp.float32),
    grid=(GRID4,),
    in_specs=[
        pl.BlockSpec((NC, B4, C), lambda i: (0, i, 0)),
        pl.BlockSpec((B4,), lambda i: (i,)),
        pl.BlockSpec((B4,), lambda i: (i + GRID4,)),
        pl.BlockSpec((C,), lambda i: (0,)),
        pl.BlockSpec((C, C), lambda i: (0, 0)),
        pl.BlockSpec((C,), lambda i: (0,)),
    ],
    out_specs=pl.BlockSpec((B4, C), lambda i: (i, 0)),
)


def kernel(x, edge_index, lin_w, lin_bias, fc_w, fc_b):
    col = edge_index[1]

    deg_part = _deg_kernel(col)
    g = _k2(deg_part, deg_part, x, lin_w)
    s_part = _agg_kernel(g, edge_index[0], col)
    return _k4(s_part, deg_part, deg_part, lin_bias, fc_w, fc_b)

# --- scband reference (transcript-rebuilt; emitter-appended) ---
"""Pipeline reference for scband-gcnnet-12695923327677 (READ-ONLY COPY).

The authoritative reference and input builder live on the scoring server;
editing this copy changes nothing except your own understanding.
"""

import jax, jax.numpy as jnp
import numpy as np

N = 10000
E = 320000
IN_C = 128
HID_C = 128
OUT_C = 128


def setup_inputs(seed: int = 0) -> dict:
    key = jax.random.key(seed)
    k1, k2, k3, k4 = jax.random.split(key, 4)
    x = jax.random.normal(k1, (N, IN_C), dtype=jnp.float32)
    edge_index = jax.random.randint(k2, (2, E), 0, N, dtype=jnp.int32)
    # learned params: GCNConv.lin (no bias), GCNConv.bias, fc Linear (weight+bias)
    lin_w = jax.random.normal(k3, (HID_C, IN_C), dtype=jnp.float32) * (1.0 / np.sqrt(IN_C))
    lin_bias = jnp.zeros((HID_C,), dtype=jnp.float32)
    fc_w = jax.random.normal(k4, (OUT_C, HID_C), dtype=jnp.float32) * (1.0 / np.sqrt(HID_C))
    fc_b = jnp.zeros((OUT_C,), dtype=jnp.float32)
    return {"x": x, "edge_index": edge_index, "lin_w": lin_w, "lin_bias": lin_bias, "fc_w": fc_w, "fc_b": fc_b}


def reference(x, edge_index, lin_w, lin_bias, fc_w, fc_b):
    # eval mode: dropout(p=0.5, training=False) is identity
    # GCNConv forward
    h = x @ lin_w.T                                   # lin(x), no bias
    row = edge_index[0]
    col = edge_index[1]
    deg = jnp.zeros((x.shape[0],), dtype=h.dtype).at[col].add(1.0)  # degree(col, N)
    deg_inv_sqrt = jnp.power(deg, 0.5)                # NB: source uses pow(0.5), faithful
    deg_inv_sqrt = jnp.where(jnp.isinf(deg_inv_sqrt), 0.0, deg_inv_sqrt)
    norm = deg_inv_sqrt[row] * deg_inv_sqrt[col]
    # message: norm * x_j  (x_j = h gathered at source=row), aggr='add' at dst=col
    msg = norm[:, None] * jnp.take(h, row, axis=0)
    out = jnp.zeros_like(h).at[col].add(msg)
    out = out + lin_bias
    out = jnp.squeeze(out)
    # fc
    return out @ fc_w.T + fc_b

if __name__ == "__main__":
    import jax
    _d = setup_inputs()
    print(jax.jit(kernel)(*tuple(_d.values())))

</pallas_src>

<mosaic_0001>
#map = affine_map<(d0, d1) -> (0, 0)>
#map1 = affine_map<(d0, d1) -> (0)>
#map2 = affine_map<(d0, d1) -> (0, 0, 0)>
module attributes {stable_mosaic.version = 14 : i64} {
  func.func @_agg_kernel(%arg0: i32, %arg1: i32, %arg2: memref<10240x128xf32, #tpu.memory_space<hbm>>, %arg3: memref<320000xi32, #tpu.memory_space<hbm>>, %arg4: memref<320000xi32, #tpu.memory_space<hbm>>, %arg5: memref<2x10240x128xf32, #tpu.memory_space<hbm>>, %arg6: memref<10000xi32, #tpu.memory_space<vmem>>, %arg7: memref<80xi32, #tpu.memory_space<vmem>>, %arg8: memref<80xi32, #tpu.memory_space<vmem>>, %arg9: memref<80xi32, #tpu.memory_space<vmem>>, %arg10: memref<80x128xf32, #tpu.memory_space<vmem>>, %arg11: memref<80x128xf32, #tpu.memory_space<vmem>>, %arg12: memref<80x128xf32, #tpu.memory_space<vmem>>, %arg13: memref<10240x128xf32, #tpu.memory_space<vmem_shared>>, %arg14: memref<!tpu.dma_semaphore, #tpu.memory_space<semaphore_mem>>, %arg15: memref<!tpu.dma_semaphore, #tpu.memory_space<semaphore_mem>>, %arg16: memref<!tpu.dma_semaphore, #tpu.memory_space<semaphore_mem>>, %arg17: memref<!tpu.dma_semaphore, #tpu.memory_space<semaphore_mem>>, %arg18: memref<!tpu.dma_semaphore, #tpu.memory_space<semaphore_mem>>, %arg19: memref<!tpu.dma_semaphore, #tpu.memory_space<semaphore_mem>>, %arg20: memref<!tpu.dma_semaphore, #tpu.memory_space<semaphore_mem>>, %arg21: memref<!tpu.dma_semaphore, #tpu.memory_space<semaphore_mem>>, %arg22: memref<!tpu.dma_semaphore, #tpu.memory_space<semaphore_mem>>, %arg23: memref<!tpu.dma_semaphore, #tpu.memory_space<semaphore_mem>>) attributes {dimension_semantics = [#tpu.dimension_semantics<core_parallel>, #tpu.dimension_semantics<subcore_parallel>], iteration_bounds = array<i64: 2, 16>, scalar_prefetch = 0 : i64, scratch_operands = 18 : i64, tpu.core_type = #tpu.core_type<sc_vector_subcore>, window_params = [{transform_indices = #map}, {transform_indices = #map1}, {transform_indices = #map1}, {transform_indices = #map2}]} {
    %mul3A = arith.constant 2 : i32
    %mul3A_0 = arith.muli %arg1, %mul3A : i32
    %add3A = arith.addi %mul3A_0, %arg0 : i32
    %mul3A_1 = arith.constant 10000 : i32
    %mul3A_2 = arith.muli %add3A, %mul3A_1 : i32
    %multiple_of3A = tpu.assume_multiple %mul3A_2, 8 : i32
    %dma_start3A = tpu.memref_slice %arg3[%multiple_of3A] : memref<320000xi32, #tpu.memory_space<hbm>> -> memref<10000xi32, #tpu.memory_space<hbm>>
    %dma_start3A_3 = tpu.memref_slice %arg3[%multiple_of3A] : memref<320000xi32, #tpu.memory_space<hbm>> -> memref<10000xi32, #tpu.memory_space<hbm>>
    tpu.enqueue_dma source(%dma_start3A_3 : memref<10000xi32, #tpu.memory_space<hbm>>) target(%arg6 : memref<10000xi32, #tpu.memory_space<vmem>>) target_semaphore(%arg14 : memref<!tpu.dma_semaphore, #tpu.memory_space<semaphore_mem>>)
    %add3A_4 = arith.constant 0 : i32
    %add3A_5 = arith.addi %mul3A_2, %add3A_4 : i32
    %multiple_of3A_6 = tpu.assume_multiple %add3A_5, 8 : i32
    %dma_start3A_7 = tpu.memref_slice %arg4[%multiple_of3A_6] : memref<320000xi32, #tpu.memory_space<hbm>> -> memref<80xi32, #tpu.memory_space<hbm>>
    %dma_start3A_8 = tpu.memref_slice %arg4[%multiple_of3A_6] : memref<320000xi32, #tpu.memory_space<hbm>> -> memref<80xi32, #tpu.memory_space<hbm>>
    tpu.enqueue_dma source(%dma_start3A_8 : memref<80xi32, #tpu.memory_space<hbm>>) target(%arg7 : memref<80xi32, #tpu.memory_space<vmem>>) target_semaphore(%arg15 : memref<!tpu.dma_semaphore, #tpu.memory_space<semaphore_mem>>)
    %add3A_9 = arith.constant 80 : i32
    %add3A_10 = arith.addi %mul3A_2, %add3A_9 : i32
    %multiple_of3A_11 = tpu.assume_multiple %add3A_10, 8 : i32
    %dma_start3A_12 = tpu.memref_slice %arg4[%multiple_of3A_11] : memref<320000xi32, #tpu.memory_space<hbm>> -> memref<80xi32, #tpu.memory_space<hbm>>
    %dma_start3A_13 = tpu.memref_slice %arg4[%multiple_of3A_11] : memref<320000xi32, #tpu.memory_space<hbm>> -> memref<80xi32, #tpu.memory_space<hbm>>
    tpu.enqueue_dma source(%dma_start3A_13 : memref<80xi32, #tpu.memory_space<hbm>>) target(%arg8 : memref<80xi32, #tpu.memory_space<vmem>>) target_semaphore(%arg16 : memref<!tpu.dma_semaphore, #tpu.memory_space<semaphore_mem>>)
    %add3A_14 = arith.constant 160 : i32
    %add3A_15 = arith.addi %mul3A_2, %add3A_14 : i32
    %multiple_of3A_16 = tpu.assume_multiple %add3A_15, 8 : i32
    %dma_start3A_17 = tpu.memref_slice %arg4[%multiple_of3A_16] : memref<320000xi32, #tpu.memory_space<hbm>> -> memref<80xi32, #tpu.memory_space<hbm>>
    %dma_start3A_18 = tpu.memref_slice %arg4[%multiple_of3A_16] : memref<320000xi32, #tpu.memory_space<hbm>> -> memref<80xi32, #tpu.memory_space<hbm>>
    tpu.enqueue_dma source(%dma_start3A_18 : memref<80xi32, #tpu.memory_space<hbm>>) target(%arg9 : memref<80xi32, #tpu.memory_space<vmem>>) target_semaphore(%arg17 : memref<!tpu.dma_semaphore, #tpu.memory_space<semaphore_mem>>)
    %broadcast_in_dim3A = arith.constant 0.000000e+00 : f32
    %broadcast_in_dim3A_19 = vector.broadcast %broadcast_in_dim3A : f32 to vector<16xf32>
    %scan3A = arith.constant 0 : i32
    %scan3A_20 = arith.constant 80 : i32
    %scan3A_21 = arith.addi %scan3A, %scan3A_20 : i32
    %scan3A_22 = arith.constant 1 : i32
    scf.for %scan3A_117 = %scan3A to %scan3A_21 step %scan3A_22  : i32 {
      %mul3A_118 = arith.constant 1 : i32
      %mul3A_119 = arith.muli %scan3A_117, %mul3A_118 : i32
      %add3A_120 = arith.constant 0 : i32
      %add3A_121 = arith.addi %add3A_120, %mul3A_119 : i32
      %swap3A = arith.index_cast %add3A_121 : i32 to index
      %swap3A_122 = arith.constant 0 : index
      %swap3A_123 = tpu.vector_load %arg10[%swap3A, %swap3A_122] {strides = array<i32>} : memref<80x128xf32, #tpu.memory_space<vmem>>, vector<1x16xf32>,
      %swap3A_124 = vector.shape_cast %swap3A_123 : vector<1x16xf32> to vector<16xf32>
      %swap3A_125 = vector.shape_cast %broadcast_in_dim3A_19 : vector<16xf32> to vector<1x16xf32>
      tpu.vector_store %arg10[%swap3A, %swap3A_122], %swap3A_125 {strides = array<i32>} : memref<80x128xf32, #tpu.memory_space<vmem>>, vector<1x16xf32>,
      %swap3A_126 = arith.index_cast %add3A_121 : i32 to index
      %swap3A_127 = arith.constant 16 : index
      %swap3A_128 = tpu.vector_load %arg10[%swap3A_126, %swap3A_127] {strides = array<i32>} : memref<80x128xf32, #tpu.memory_space<vmem>>, vector<1x16xf32>,
      %swap3A_129 = vector.shape_cast %swap3A_128 : vector<1x16xf32> to vector<16xf32>
      %swap3A_130 = vector.shape_cast %broadcast_in_dim3A_19 : vector<16xf32> to vector<1x16xf32>
      tpu.vector_store %arg10[%swap3A_126, %swap3A_127], %swap3A_130 {strides = array<i32>} : memref<80x128xf32, #tpu.memory_space<vmem>>, vector<1x16xf32>,
      %swap3A_131 = arith.index_cast %add3A_121 : i32 to index
      %swap3A_132 = arith.constant 32 : index
      %swap3A_133 = tpu.vector_load %arg10[%swap3A_131, %swap3A_132] {strides = array<i32>} : memref<80x128xf32, #tpu.memory_space<vmem>>, vector<1x16xf32>,
      %swap3A_134 = vector.shape_cast %swap3A_133 : vector<1x16xf32> to vector<16xf32>
      %swap3A_135 = vector.shape_cast %broadcast_in_dim3A_19 : vector<16xf32> to vector<1x16xf32>
      tpu.vector_store %arg10[%swap3A_131, %swap3A_132], %swap3A_135 {strides = array<i32>} : memref<80x128xf32, #tpu.memory_space<vmem>>, vector<1x16xf32>,
      %swap3A_136 = arith.index_cast %add3A_121 : i32 to index
      %swap3A_137 = arith.constant 48 : index
      %swap3A_138 = tpu.vector_load %arg10[%swap3A_136, %swap3A_137] {strides = array<i32>} : memref<80x128xf32, #tpu.memory_space<vmem>>, vector<1x16xf32>,
      %swap3A_139 = vector.shape_cast %swap3A_138 : vector<1x16xf32> to vector<16xf32>
      %swap3A_140 = vector.shape_cast %broadcast_in_dim3A_19 : vector<16xf32> to vector<1x16xf32>
      tpu.vector_store %arg10[%swap3A_136, %swap3A_137], %swap3A_140 {strides = array<i32>} : memref<80x128xf32, #tpu.memory_space<vmem>>, vector<1x16xf32>,
      %swap3A_141 = arith.index_cast %add3A_121 : i32 to index
      %swap3A_142 = arith.constant 64 : index
      %swap3A_143 = tpu.vector_load %arg10[%swap3A_141, %swap3A_142] {strides = array<i32>} : memref<80x128xf32, #tpu.memory_space<vmem>>, vector<1x16xf32>,
      %swap3A_144 = vector.shape_cast %swap3A_143 : vector<1x16xf32> to vector<16xf32>
      %swap3A_145 = vector.shape_cast %broadcast_in_dim3A_19 : vector<16xf32> to vector<1x16xf32>
      tpu.vector_store %arg10[%swap3A_141, %swap3A_142], %swap3A_145 {strides = array<i32>} : memref<80x128xf32, #tpu.memory_space<vmem>>, vector<1x16xf32>,
      %swap3A_146 = arith.index_cast %add3A_121 : i32 to index
      %swap3A_147 = arith.constant 80 : index
      %swap3A_148 = tpu.vector_load %arg10[%swap3A_146, %swap3A_147] {strides = array<i32>} : memref<80x128xf32, #tpu.memory_space<vmem>>, vector<1x16xf32>,
      %swap3A_149 = vector.shape_cast %swap3A_148 : vector<1x16xf32> to vector<16xf32>
      %swap3A_150 = vector.shape_cast %broadcast_in_dim3A_19 : vector<16xf32> to vector<1x16xf32>
      tpu.vector_store %arg10[%swap3A_146, %swap3A_147], %swap3A_150 {strides = array<i32>} : memref<80x128xf32, #tpu.memory_space<vmem>>, vector<1x16xf32>,
      %swap3A_151 = arith.index_cast %add3A_121 : i32 to index
      %swap3A_152 = arith.constant 96 : index
      %swap3A_153 = tpu.vector_load %arg10[%swap3A_151, %swap3A_152] {strides = array<i32>} : memref<80x128xf32, #tpu.memory_space<vmem>>, vector<1x16xf32>,
      %swap3A_154 = vector.shape_cast %swap3A_153 : vector<1x16xf32> to vector<16xf32>
      %swap3A_155 = vector.shape_cast %broadcast_in_dim3A_19 : vector<16xf32> to vector<1x16xf32>
      tpu.vector_store %arg10[%swap3A_151, %swap3A_152], %swap3A_155 {strides = array<i32>} : memref<80x128xf32, #tpu.memory_space<vmem>>, vector<1x16xf32>,
      %swap3A_156 = arith.index_cast %add3A_121 : i32 to index
      %swap3A_157 = arith.constant 112 : index
      %swap3A_158 = tpu.vector_load %arg10[%swap3A_156, %swap3A_157] {strides = array<i32>} : memref<80x128xf32, #tpu.memory_space<vmem>>, vector<1x16xf32>,
      %swap3A_159 = vector.shape_cast %swap3A_158 : vector<1x16xf32> to vector<16xf32>
      %swap3A_160 = vector.shape_cast %broadcast_in_dim3A_19 : vector<16xf32> to vector<1x16xf32>
      tpu.vector_store %arg10[%swap3A_156, %swap3A_157], %swap3A_160 {strides = array<i32>} : memref<80x128xf32, #tpu.memory_space<vmem>>, vector<1x16xf32>,
    }
    %scan3A_23 = arith.constant 80 : i32
    %mul3A_24 = arith.constant 8 : i32
    %mul3A_25 = arith.muli %arg1, %mul3A_24 : i32
    %add3A_26 = arith.constant 1 : i32
    %add3A_27 = arith.addi %arg1, %add3A_26 : i32
    %mul3A_28 = arith.constant 8 : i32
    %mul3A_29 = arith.muli %add3A_27, %mul3A_28 : i32
    %sub3A = arith.subi %mul3A_29, %mul3A_25 : i32
    %sub3A_30 = arith.constant 1 : i32
    %sub3A_31 = arith.constant 1 : i32
    %sub3A_32 = arith.subi %sub3A_30, %sub3A_31 : i32
    %add3A_33 = arith.addi %sub3A, %sub3A_32 : i32
    %div3A = arith.constant 1 : i32
    %div3A_34 = arith.divsi %add3A_33, %div3A : i32
    %while3A = arith.constant 1 : i32
    %while3A_35 = arith.constant 0 : i32
    %while3A_36 = arith.subi %div3A_34, %while3A_35 : i32
    %while3A_37 = arith.addi %while3A_35, %while3A_36 : i32
    %while3A_38 = arith.constant 1 : i32
    %while3A_39 = arith.divsi %while3A_36, %while3A_38 : i32
    %while3A_40 = arith.muli %while3A_39, %while3A_38 : i32
    %while3A_41 = arith.addi %while3A_35, %while3A_40 : i32
    %while3A_42 = arith.constant 1 : i32
    scf.for %while3A_117 = %while3A_35 to %while3A_41 step %while3A_42  : i32 {
      %mul3A_118 = arith.muli %while3A_117, %while3A : i32
      %add3A_119 = arith.addi %mul3A_25, %mul3A_118 : i32
      %mul3A_120 = arith.constant 80 : i32
      %mul3A_121 = arith.muli %add3A_119, %mul3A_120 : i32
      "tpu.region"() ({
        %run_scoped3A = tpu.sem_alloc : memref<!tpu.dma_semaphore, #tpu.memory_space<semaphore_mem>>
        %dma_start3A_122 = arith.constant 0 : i32
        %dma_start3A_123 = tpu.memref_slice %arg13[%mul3A_121, %dma_start3A_122] : memref<10240x128xf32, #tpu.memory_space<vmem_shared>> -> memref<80x128xf32, #tpu.memory_space<vmem_shared>>
        %dma_start3A_124 = arith.constant 0 : i32
        %dma_start3A_125 = tpu.memref_slice %arg13[%mul3A_121, %dma_start3A_124] : memref<10240x128xf32, #tpu.memory_space<vmem_shared>> -> memref<80x128xf32, #tpu.memory_space<vmem_shared>>
        tpu.enqueue_dma source(%arg10 : memref<80x128xf32, #tpu.memory_space<vmem>>) target(%dma_start3A_125 : memref<80x128xf32, #tpu.memory_space<vmem_shared>>) target_semaphore(%run_scoped3A : memref<!tpu.dma_semaphore, #tpu.memory_space<semaphore_mem>>)
        %dma_wait3A_126 = arith.constant 0 : i32
        %dma_wait3A_127 = tpu.memref_slice %arg13[%mul3A_121, %dma_wait3A_126] : memref<10240x128xf32, #tpu.memory_space<vmem_shared>> -> memref<80x128xf32, #tpu.memory_space<vmem_shared>>
        %dma_wait3A_128 = arith.constant 0 : i32
        %dma_wait3A_129 = tpu.memref_slice %arg13[%mul3A_121, %dma_wait3A_128] : memref<10240x128xf32, #tpu.memory_space<vmem_shared>> -> memref<80x128xf32, #tpu.memory_space<vmem_shared>>
        tpu.wait_dma2 semaphore(%run_scoped3A : memref<!tpu.dma_semaphore, #tpu.memory_space<semaphore_mem>>) src(%arg10 : memref<80x128xf32, #tpu.memory_space<vmem>>) dst(%dma_wait3A_129 : memref<80x128xf32, #tpu.memory_space<vmem_shared>>)
        tpu.yield
      }) : () -> ()
    }
    %while3A_43 = arith.constant 1 : i32
    scf.for %while3A_117 = %while3A_41 to %while3A_37 step %while3A_43  : i32 {
      %mul3A_118 = arith.muli %while3A_117, %while3A : i32
      %add3A_119 = arith.addi %mul3A_25, %mul3A_118 : i32
      %mul3A_120 = arith.constant 80 : i32
      %mul3A_121 = arith.muli %add3A_119, %mul3A_120 : i32
      "tpu.region"() ({
        %run_scoped3A = tpu.sem_alloc : memref<!tpu.dma_semaphore, #tpu.memory_space<semaphore_mem>>
        %dma_start3A_122 = arith.constant 0 : i32
        %dma_start3A_123 = tpu.memref_slice %arg13[%mul3A_121, %dma_start3A_122] : memref<10240x128xf32, #tpu.memory_space<vmem_shared>> -> memref<80x128xf32, #tpu.memory_space<vmem_shared>>
        %dma_start3A_124 = arith.constant 0 : i32
        %dma_start3A_125 = tpu.memref_slice %arg13[%mul3A_121, %dma_start3A_124] : memref<10240x128xf32, #tpu.memory_space<vmem_shared>> -> memref<80x128xf32, #tpu.memory_space<vmem_shared>>
        tpu.enqueue_dma source(%arg10 : memref<80x128xf32, #tpu.memory_space<vmem>>) target(%dma_start3A_125 : memref<80x128xf32, #tpu.memory_space<vmem_shared>>) target_semaphore(%run_scoped3A : memref<!tpu.dma_semaphore, #tpu.memory_space<semaphore_mem>>)
        %dma_wait3A_126 = arith.constant 0 : i32
        %dma_wait3A_127 = tpu.memref_slice %arg13[%mul3A_121, %dma_wait3A_126] : memref<10240x128xf32, #tpu.memory_space<vmem_shared>> -> memref<80x128xf32, #tpu.memory_space<vmem_shared>>
        %dma_wait3A_128 = arith.constant 0 : i32
        %dma_wait3A_129 = tpu.memref_slice %arg13[%mul3A_121, %dma_wait3A_128] : memref<10240x128xf32, #tpu.memory_space<vmem_shared>> -> memref<80x128xf32, #tpu.memory_space<vmem_shared>>
        tpu.wait_dma2 semaphore(%run_scoped3A : memref<!tpu.dma_semaphore, #tpu.memory_space<semaphore_mem>>) src(%arg10 : memref<80x128xf32, #tpu.memory_space<vmem>>) dst(%dma_wait3A_129 : memref<80x128xf32, #tpu.memory_space<vmem_shared>>)
        tpu.yield
      }) : () -> ()
    }
    %dma_wait3A = tpu.memref_slice %arg3[%multiple_of3A] : memref<320000xi32, #tpu.memory_space<hbm>> -> memref<10000xi32, #tpu.memory_space<hbm>>
    %dma_wait3A_44 = tpu.memref_slice %arg3[%multiple_of3A] : memref<320000xi32, #tpu.memory_space<hbm>> -> memref<10000xi32, #tpu.memory_space<hbm>>
    tpu.wait_dma2 semaphore(%arg14 : memref<!tpu.dma_semaphore, #tpu.memory_space<semaphore_mem>>) src(%dma_wait3A_44 : memref<10000xi32, #tpu.memory_space<hbm>>) dst(%arg6 : memref<10000xi32, #tpu.memory_space<vmem>>)
    %dma_start3A_45 = arith.constant 0 : i32
    %dma_start3A_46 = tpu.memref_slice %arg6[%dma_start3A_45] : memref<10000xi32, #tpu.memory_space<vmem>> -> memref<80xi32, #tpu.memory_space<vmem>>
    %dma_start3A_47 = arith.constant 0 : i32
    %dma_start3A_48 = arith.constant 0 : i32
    %dma_start3A_49 = tpu.memref_slice %arg2[%dma_start3A_47, %dma_start3A_48] : memref<10240x128xf32, #tpu.memory_space<hbm>> -> memref<10240x128xf32, #tpu.memory_space<hbm>>
    tpu.enqueue_indirect_dma source(%dma_start3A_49 : memref<10240x128xf32, #tpu.memory_space<hbm>>) target(%arg10 : memref<80x128xf32, #tpu.memory_space<vmem>>) offsets(%dma_start3A_46 : memref<80xi32, #tpu.memory_space<vmem>>) semaphore(%arg18 : memref<!tpu.dma_semaphore, #tpu.memory_space<semaphore_mem>>)
    %dma_start3A_50 = arith.constant 80 : i32
    %dma_start3A_51 = tpu.memref_slice %arg6[%dma_start3A_50] : memref<10000xi32, #tpu.memory_space<vmem>> -> memref<80xi32, #tpu.memory_space<vmem>>
    %dma_start3A_52 = arith.constant 0 : i32
    %dma_start3A_53 = arith.constant 0 : i32
    %dma_start3A_54 = tpu.memref_slice %arg2[%dma_start3A_52, %dma_start3A_53] : memref<10240x128xf32, #tpu.memory_space<hbm>> -> memref<10240x128xf32, #tpu.memory_space<hbm>>
    tpu.enqueue_indirect_dma source(%dma_start3A_54 : memref<10240x128xf32, #tpu.memory_space<hbm>>) target(%arg11 : memref<80x128xf32, #tpu.memory_space<vmem>>) offsets(%dma_start3A_51 : memref<80xi32, #tpu.memory_space<vmem>>) semaphore(%arg19 : memref<!tpu.dma_semaphore, #tpu.memory_space<semaphore_mem>>)
    %dma_start3A_55 = arith.constant 160 : i32
    %dma_start3A_56 = tpu.memref_slice %arg6[%dma_start3A_55] : memref<10000xi32, #tpu.memory_space<vmem>> -> memref<80xi32, #tpu.memory_space<vmem>>
    %dma_start3A_57 = arith.constant 0 : i32
    %dma_start3A_58 = arith.constant 0 : i32
    %dma_start3A_59 = tpu.memref_slice %arg2[%dma_start3A_57, %dma_start3A_58] : memref<10240x128xf32, #tpu.memory_space<hbm>> -> memref<10240x128xf32, #tpu.memory_space<hbm>>
    tpu.enqueue_indirect_dma source(%dma_start3A_59 : memref<10240x128xf32, #tpu.memory_space<hbm>>) target(%arg12 : memref<80x128xf32, #tpu.memory_space<vmem>>) offsets(%dma_start3A_56 : memref<80xi32, #tpu.memory_space<vmem>>) semaphore(%arg20 : memref<!tpu.dma_semaphore, #tpu.memory_space<semaphore_mem>>)
    %barrier3A = arith.constant 0 : index
    tpu.barrier barrier_id(%barrier3A)
    %scan3A_60 = arith.constant 0 : i32
    %scan3A_61 = arith.constant 41 : i32
    %scan3A_62 = arith.addi %scan3A_60, %scan3A_61 : i32
    %scan3A_63 = arith.constant 1 : i32
    scf.for %scan3A_117 = %scan3A_60 to %scan3A_62 step %scan3A_63  : i32 {
      %mul3A_118 = arith.constant 1 : i32
      %mul3A_119 = arith.muli %scan3A_117, %mul3A_118 : i32
      %add3A_120 = arith.constant 0 : i32
      %add3A_121 = arith.addi %add3A_120, %mul3A_119 : i32
      %mul3A_122 = arith.constant 3 : i32
      %mul3A_123 = arith.muli %mul3A_122, %add3A_121 : i32
      %add3A_124 = arith.constant 0 : i32
      %add3A_125 = arith.addi %mul3A_123, %add3A_124 : i32
      %ge3A = arith.constant 2 : i32
      %ge3A_126 = arith.cmpi sge, %add3A_125, %ge3A : i32
      %convert_element_type3A = arith.extui %ge3A_126 : i1 to i32
      %cond3A = arith.constant 0 : i32
      %cond3A_127 = arith.cmpi ne, %convert_element_type3A, %cond3A : i32
      scf.if %cond3A_127 {
        %dma_wait3A_191 = arith.constant 0 : i32
        %dma_wait3A_192 = arith.constant 0 : i32
        %dma_wait3A_193 = tpu.memref_slice %arg13[%dma_wait3A_191, %dma_wait3A_192] : memref<10240x128xf32, #tpu.memory_space<vmem_shared>> -> memref<10240x128xf32, #tpu.memory_space<vmem_shared>>
        tpu.wait_indirect_dma semaphore(%arg22 : memref<!tpu.dma_semaphore, #tpu.memory_space<semaphore_mem>>) src(%arg11 : memref<80x128xf32, #tpu.memory_space<vmem>>) dst(%dma_wait3A_193 : memref<10240x128xf32, #tpu.memory_space<vmem_shared>>)
        %add3A_194 = arith.constant 1 : i32
        %add3A_195 = arith.addi %add3A_125, %add3A_194 : i32
        %mul3A_196 = arith.constant 80 : i32
        %mul3A_197 = arith.muli %add3A_195, %mul3A_196 : i32
        %add3A_198 = arith.addi %mul3A_2, %mul3A_197 : i32
        %multiple_of3A_199 = tpu.assume_multiple %add3A_198, 8 : i32
        %dma_start3A_200 = tpu.memref_slice %arg4[%multiple_of3A_199] : memref<320000xi32, #tpu.memory_space<hbm>> -> memref<80xi32, #tpu.memory_space<hbm>>
        %dma_start3A_201 = tpu.memref_slice %arg4[%multiple_of3A_199] : memref<320000xi32, #tpu.memory_space<hbm>> -> memref<80xi32, #tpu.memory_space<hbm>>
        tpu.enqueue_dma source(%dma_start3A_201 : memref<80xi32, #tpu.memory_space<hbm>>) target(%arg8 : memref<80xi32, #tpu.memory_space<vmem>>) target_semaphore(%arg16 : memref<!tpu.dma_semaphore, #tpu.memory_space<semaphore_mem>>)
        %add3A_202 = arith.constant 1 : i32
        %add3A_203 = arith.addi %add3A_125, %add3A_202 : i32
        %mul3A_204 = arith.constant 80 : i32
        %mul3A_205 = arith.muli %add3A_203, %mul3A_204 : i32
        %dma_start3A_206 = tpu.memref_slice %arg6[%mul3A_205] : memref<10000xi32, #tpu.memory_space<vmem>> -> memref<80xi32, #tpu.memory_space<vmem>>
        %dma_start3A_207 = arith.constant 0 : i32
        %dma_start3A_208 = arith.constant 0 : i32
        %dma_start3A_209 = tpu.memref_slice %arg2[%dma_start3A_207, %dma_start3A_208] : memref<10240x128xf32, #tpu.memory_space<hbm>> -> memref<10240x128xf32, #tpu.memory_space<hbm>>
        tpu.enqueue_indirect_dma source(%dma_start3A_209 : memref<10240x128xf32, #tpu.memory_space<hbm>>) target(%arg11 : memref<80x128xf32, #tpu.memory_space<vmem>>) offsets(%dma_start3A_206 : memref<80xi32, #tpu.memory_space<vmem>>) semaphore(%arg19 : memref<!tpu.dma_semaphore, #tpu.memory_space<semaphore_mem>>)
      } else {
      }
      %mul3A_128 = arith.constant 80 : i32
      %mul3A_129 = arith.muli %add3A_125, %mul3A_128 : i32
      %dma_wait3A_130 = tpu.memref_slice %arg6[%mul3A_129] : memref<10000xi32, #tpu.memory_space<vmem>> -> memref<80xi32, #tpu.memory_space<vmem>>
      %dma_wait3A_131 = arith.constant 0 : i32
      %dma_wait3A_132 = arith.constant 0 : i32
      %dma_wait3A_133 = tpu.memref_slice %arg2[%dma_wait3A_131, %dma_wait3A_132] : memref<10240x128xf32, #tpu.memory_space<hbm>> -> memref<10240x128xf32, #tpu.memory_space<hbm>>
      tpu.wait_indirect_dma semaphore(%arg18 : memref<!tpu.dma_semaphore, #tpu.memory_space<semaphore_mem>>) src(%dma_wait3A_133 : memref<10240x128xf32, #tpu.memory_space<hbm>>) dst(%arg10 : memref<80x128xf32, #tpu.memory_space<vmem>>)
      %mul3A_134 = arith.constant 80 : i32
      %mul3A_135 = arith.muli %add3A_125, %mul3A_134 : i32
      %add3A_136 = arith.addi %mul3A_2, %mul3A_135 : i32
      %multiple_of3A_137 = tpu.assume_multiple %add3A_136, 8 : i32
      %dma_wait3A_138 = tpu.memref_slice %arg4[%multiple_of3A_137] : memref<320000xi32, #tpu.memory_space<hbm>> -> memref<80xi32, #tpu.memory_space<hbm>>
      %dma_wait3A_139 = tpu.memref_slice %arg4[%multiple_of3A_137] : memref<320000xi32, #tpu.memory_space<hbm>> -> memref<80xi32, #tpu.memory_space<hbm>>
      tpu.wait_dma2 semaphore(%arg15 : memref<!tpu.dma_semaphore, #tpu.memory_space<semaphore_mem>>) src(%dma_wait3A_139 : memref<80xi32, #tpu.memory_space<hbm>>) dst(%arg7 : memref<80xi32, #tpu.memory_space<vmem>>)
      %dma_start3A_140 = arith.constant 0 : i32
      %dma_start3A_141 = arith.constant 0 : i32
      %dma_start3A_142 = tpu.memref_slice %arg13[%dma_start3A_140, %dma_start3A_141] : memref<10240x128xf32, #tpu.memory_space<vmem_shared>> -> memref<10240x128xf32, #tpu.memory_space<vmem_shared>>
      tpu.enqueue_indirect_dma source(%arg10 : memref<80x128xf32, #tpu.memory_space<vmem>>) target(%dma_start3A_142 : memref<10240x128xf32, #tpu.memory_space<vmem_shared>>) offsets(%arg7 : memref<80xi32, #tpu.memory_space<vmem>>) semaphore(%arg21 : memref<!tpu.dma_semaphore, #tpu.memory_space<semaphore_mem>>) {add = true}
      %mul3A_143 = arith.constant 3 : i32
      %mul3A_144 = arith.muli %mul3A_143, %add3A_121 : i32
      %add3A_145 = arith.constant 1 : i32
      %add3A_146 = arith.addi %mul3A_144, %add3A_145 : i32
      %ge3A_147 = arith.constant 2 : i32
      %ge3A_148 = arith.cmpi sge, %add3A_146, %ge3A_147 : i32
      %convert_element_type3A_149 = arith.extui %ge3A_148 : i1 to i32
      %cond3A_150 = arith.constant 0 : i32
      %cond3A_151 = arith.cmpi ne, %convert_element_type3A_149, %cond3A_150 : i32
      scf.if %cond3A_151 {
        %dma_wait3A_191 = arith.constant 0 : i32
        %dma_wait3A_192 = arith.constant 0 : i32
        %dma_wait3A_193 = tpu.memref_slice %arg13[%dma_wait3A_191, %dma_wait3A_192] : memref<10240x128xf32, #tpu.memory_space<vmem_shared>> -> memref<10240x128xf32, #tpu.memory_space<vmem_shared>>
        tpu.wait_indirect_dma semaphore(%arg23 : memref<!tpu.dma_semaphore, #tpu.memory_space<semaphore_mem>>) src(%arg12 : memref<80x128xf32, #tpu.memory_space<vmem>>) dst(%dma_wait3A_193 : memref<10240x128xf32, #tpu.memory_space<vmem_shared>>)
        %add3A_194 = arith.constant 1 : i32
        %add3A_195 = arith.addi %add3A_146, %add3A_194 : i32
        %mul3A_196 = arith.constant 80 : i32
        %mul3A_197 = arith.muli %add3A_195, %mul3A_196 : i32
        %add3A_198 = arith.addi %mul3A_2, %mul3A_197 : i32
        %multiple_of3A_199 = tpu.assume_multiple %add3A_198, 8 : i32
        %dma_start3A_200 = tpu.memref_slice %arg4[%multiple_of3A_199] : memref<320000xi32, #tpu.memory_space<hbm>> -> memref<80xi32, #tpu.memory_space<hbm>>
        %dma_start3A_201 = tpu.memref_slice %arg4[%multiple_of3A_199] : memref<320000xi32, #tpu.memory_space<hbm>> -> memref<80xi32, #tpu.memory_space<hbm>>
        tpu.enqueue_dma source(%dma_start3A_201 : memref<80xi32, #tpu.memory_space<hbm>>) target(%arg9 : memref<80xi32, #tpu.memory_space<vmem>>) target_semaphore(%arg17 : memref<!tpu.dma_semaphore, #tpu.memory_space<semaphore_mem>>)
        %add3A_202 = arith.constant 1 : i32
        %add3A_203 = arith.addi %add3A_146, %add3A_202 : i32
        %mul3A_204 = arith.constant 80 : i32
        %mul3A_205 = arith.muli %add3A_203, %mul3A_204 : i32
        %dma_start3A_206 = tpu.memref_slice %arg6[%mul3A_205] : memref<10000xi32, #tpu.memory_space<vmem>> -> memref<80xi32, #tpu.memory_space<vmem>>
        %dma_start3A_207 = arith.constant 0 : i32
        %dma_start3A_208 = arith.constant 0 : i32
        %dma_start3A_209 = tpu.memref_slice %arg2[%dma_start3A_207, %dma_start3A_208] : memref<10240x128xf32, #tpu.memory_space<hbm>> -> memref<10240x128xf32, #tpu.memory_space<hbm>>
        tpu.enqueue_indirect_dma source(%dma_start3A_209 : memref<10240x128xf32, #tpu.memory_space<hbm>>) target(%arg12 : memref<80x128xf32, #tpu.memory_space<vmem>>) offsets(%dma_start3A_206 : memref<80xi32, #tpu.memory_space<vmem>>) semaphore(%arg20 : memref<!tpu.dma_semaphore, #tpu.memory_space<semaphore_mem>>)
      } else {
      }
      %mul3A_152 = arith.constant 80 : i32
      %mul3A_153 = arith.muli %add3A_146, %mul3A_152 : i32
      %dma_wait3A_154 = tpu.memref_slice %arg6[%mul3A_153] : memref<10000xi32, #tpu.memory_space<vmem>> -> memref<80xi32, #tpu.memory_space<vmem>>
      %dma_wait3A_155 = arith.constant 0 : i32
      %dma_wait3A_156 = arith.constant 0 : i32
      %dma_wait3A_157 = tpu.memref_slice %arg2[%dma_wait3A_155, %dma_wait3A_156] : memref<10240x128xf32, #tpu.memory_space<hbm>> -> memref<10240x128xf32, #tpu.memory_space<hbm>>
      tpu.wait_indirect_dma semaphore(%arg19 : memref<!tpu.dma_semaphore, #tpu.memory_space<semaphore_mem>>) src(%dma_wait3A_157 : memref<10240x128xf32, #tpu.memory_space<hbm>>) dst(%arg11 : memref<80x128xf32, #tpu.memory_space<vmem>>)
      %mul3A_158 = arith.constant 80 : i32
      %mul3A_159 = arith.muli %add3A_146, %mul3A_158 : i32
      %add3A_160 = arith.addi %mul3A_2, %mul3A_159 : i32
      %multiple_of3A_161 = tpu.assume_multiple %add3A_160, 8 : i32
      %dma_wait3A_162 = tpu.memref_slice %arg4[%multiple_of3A_161] : memref<320000xi32, #tpu.memory_space<hbm>> -> memref<80xi32, #tpu.memory_space<hbm>>
      %dma_wait3A_163 = tpu.memref_slice %arg4[%multiple_of3A_161] : memref<320000xi32, #tpu.memory_space<hbm>> -> memref<80xi32, #tpu.memory_space<hbm>>
      tpu.wait_dma2 semaphore(%arg16 : memref<!tpu.dma_semaphore, #tpu.memory_space<semaphore_mem>>) src(%dma_wait3A_163 : memref<80xi32, #tpu.memory_space<hbm>>) dst(%arg8 : memref<80xi32, #tpu.memory_space<vmem>>)
      %dma_start3A_164 = arith.constant 0 : i32
      %dma_start3A_165 = arith.constant 0 : i32
      %dma_start3A_166 = tpu.memref_slice %arg13[%dma_start3A_164, %dma_start3A_165] : memref<10240x128xf32, #tpu.memory_space<vmem_shared>> -> memref<10240x128xf32, #tpu.memory_space<vmem_shared>>
      tpu.enqueue_indirect_dma source(%arg11 : memref<80x128xf32, #tpu.memory_space<vmem>>) target(%dma_start3A_166 : memref<10240x128xf32, #tpu.memory_space<vmem_shared>>) offsets(%arg8 : memref<80xi32, #tpu.memory_space<vmem>>) semaphore(%arg22 : memref<!tpu.dma_semaphore, #tpu.memory_space<semaphore_mem>>) {add = true}
      %mul3A_167 = arith.constant 3 : i32
      %mul3A_168 = arith.muli %mul3A_167, %add3A_121 : i32
      %add3A_169 = arith.constant 2 : i32
      %add3A_170 = arith.addi %mul3A_168, %add3A_169 : i32
      %ge3A_171 = arith.constant 2 : i32
      %ge3A_172 = arith.cmpi sge, %add3A_170, %ge3A_171 : i32
      %convert_element_type3A_173 = arith.extui %ge3A_172 : i1 to i32
      %cond3A_174 = arith.constant 0 : i32
      %cond3A_175 = arith.cmpi ne, %convert_element_type3A_173, %cond3A_174 : i32
      scf.if %cond3A_175 {
        %dma_wait3A_191 = arith.constant 0 : i32
        %dma_wait3A_192 = arith.constant 0 : i32
        %dma_wait3A_193 = tpu.memref_slice %arg13[%dma_wait3A_191, %dma_wait3A_192] : memref<10240x128xf32, #tpu.memory_space<vmem_shared>> -> memref<10240x128xf32, #tpu.memory_space<vmem_shared>>
        tpu.wait_indirect_dma semaphore(%arg21 : memref<!tpu.dma_semaphore, #tpu.memory_space<semaphore_mem>>) src(%arg10 : memref<80x128xf32, #tpu.memory_space<vmem>>) dst(%dma_wait3A_193 : memref<10240x128xf32, #tpu.memory_space<vmem_shared>>)
        %add3A_194 = arith.constant 1 : i32
        %add3A_195 = arith.addi %add3A_170, %add3A_194 : i32
        %mul3A_196 = arith.constant 80 : i32
        %mul3A_197 = arith.muli %add3A_195, %mul3A_196 : i32
        %add3A_198 = arith.addi %mul3A_2, %mul3A_197 : i32
        %multiple_of3A_199 = tpu.assume_multiple %add3A_198, 8 : i32
        %dma_start3A_200 = tpu.memref_slice %arg4[%multiple_of3A_199] : memref<320000xi32, #tpu.memory_space<hbm>> -> memref<80xi32, #tpu.memory_space<hbm>>
        %dma_start3A_201 = tpu.memref_slice %arg4[%multiple_of3A_199] : memref<320000xi32, #tpu.memory_space<hbm>> -> memref<80xi32, #tpu.memory_space<hbm>>
        tpu.enqueue_dma source(%dma_start3A_201 : memref<80xi32, #tpu.memory_space<hbm>>) target(%arg7 : memref<80xi32, #tpu.memory_space<vmem>>) target_semaphore(%arg15 : memref<!tpu.dma_semaphore, #tpu.memory_space<semaphore_mem>>)
        %add3A_202 = arith.constant 1 : i32
        %add3A_203 = arith.addi %add3A_170, %add3A_202 : i32
        %mul3A_204 = arith.constant 80 : i32
        %mul3A_205 = arith.muli %add3A_203, %mul3A_204 : i32
        %dma_start3A_206 = tpu.memref_slice %arg6[%mul3A_205] : memref<10000xi32, #tpu.memory_space<vmem>> -> memref<80xi32, #tpu.memory_space<vmem>>
        %dma_start3A_207 = arith.constant 0 : i32
        %dma_start3A_208 = arith.constant 0 : i32
        %dma_start3A_209 = tpu.memref_slice %arg2[%dma_start3A_207, %dma_start3A_208] : memref<10240x128xf32, #tpu.memory_space<hbm>> -> memref<10240x128xf32, #tpu.memory_space<hbm>>
        tpu.enqueue_indirect_dma source(%dma_start3A_209 : memref<10240x128xf32, #tpu.memory_space<hbm>>) target(%arg10 : memref<80x128xf32, #tpu.memory_space<vmem>>) offsets(%dma_start3A_206 : memref<80xi32, #tpu.memory_space<vmem>>) semaphore(%arg18 : memref<!tpu.dma_semaphore, #tpu.memory_space<semaphore_mem>>)
      } else {
      }
      %mul3A_176 = arith.constant 80 : i32
      %mul3A_177 = arith.muli %add3A_170, %mul3A_176 : i32
      %dma_wait3A_178 = tpu.memref_slice %arg6[%mul3A_177] : memref<10000xi32, #tpu.memory_space<vmem>> -> memref<80xi32, #tpu.memory_space<vmem>>
      %dma_wait3A_179 = arith.constant 0 : i32
      %dma_wait3A_180 = arith.constant 0 : i32
      %dma_wait3A_181 = tpu.memref_slice %arg2[%dma_wait3A_179, %dma_wait3A_180] : memref<10240x128xf32, #tpu.memory_space<hbm>> -> memref<10240x128xf32, #tpu.memory_space<hbm>>
      tpu.wait_indirect_dma semaphore(%arg20 : memref<!tpu.dma_semaphore, #tpu.memory_space<semaphore_mem>>) src(%dma_wait3A_181 : memref<10240x128xf32, #tpu.memory_space<hbm>>) dst(%arg12 : memref<80x128xf32, #tpu.memory_space<vmem>>)
      %mul3A_182 = arith.constant 80 : i32
      %mul3A_183 = arith.muli %add3A_170, %mul3A_182 : i32
      %add3A_184 = arith.addi %mul3A_2, %mul3A_183 : i32
      %multiple_of3A_185 = tpu.assume_multiple %add3A_184, 8 : i32
      %dma_wait3A_186 = tpu.memref_slice %arg4[%multiple_of3A_185] : memref<320000xi32, #tpu.memory_space<hbm>> -> memref<80xi32, #tpu.memory_space<hbm>>
      %dma_wait3A_187 = tpu.memref_slice %arg4[%multiple_of3A_185] : memref<320000xi32, #tpu.memory_space<hbm>> -> memref<80xi32, #tpu.memory_space<hbm>>
      tpu.wait_dma2 semaphore(%arg17 : memref<!tpu.dma_semaphore, #tpu.memory_space<semaphore_mem>>) src(%dma_wait3A_187 : memref<80xi32, #tpu.memory_space<hbm>>) dst(%arg9 : memref<80xi32, #tpu.memory_space<vmem>>)
      %dma_start3A_188 = arith.constant 0 : i32
      %dma_start3A_189 = arith.constant 0 : i32
      %dma_start3A_190 = tpu.memref_slice %arg13[%dma_start3A_188, %dma_start3A_189] : memref<10240x128xf32, #tpu.memory_space<vmem_shared>> -> memref<10240x128xf32, #tpu.memory_space<vmem_shared>>
      tpu.enqueue_indirect_dma source(%arg12 : memref<80x128xf32, #tpu.memory_space<vmem>>) target(%dma_start3A_190 : memref<10240x128xf32, #tpu.memory_space<vmem_shared>>) offsets(%arg9 : memref<80xi32, #tpu.memory_space<vmem>>) semaphore(%arg23 : memref<!tpu.dma_semaphore, #tpu.memory_space<semaphore_mem>>) {add = true}
    }
    %scan3A_64 = arith.constant 41 : i32
    %dma_wait3A_65 = arith.constant 0 : i32
    %dma_wait3A_66 = arith.constant 0 : i32
    %dma_wait3A_67 = tpu.memref_slice %arg13[%dma_wait3A_65, %dma_wait3A_66] : memref<10240x128xf32, #tpu.memory_space<vmem_shared>> -> memref<10240x128xf32, #tpu.memory_space<vmem_shared>>
    tpu.wait_indirect_dma semaphore(%arg22 : memref<!tpu.dma_semaphore, #tpu.memory_space<semaphore_mem>>) src(%arg11 : memref<80x128xf32, #tpu.memory_space<vmem>>) dst(%dma_wait3A_67 : memref<10240x128xf32, #tpu.memory_space<vmem_shared>>)
    %add3A_68 = arith.constant 9920 : i32
    %add3A_69 = arith.addi %mul3A_2, %add3A_68 : i32
    %multiple_of3A_70 = tpu.assume_multiple %add3A_69, 8 : i32
    %dma_start3A_71 = tpu.memref_slice %arg4[%multiple_of3A_70] : memref<320000xi32, #tpu.memory_space<hbm>> -> memref<80xi32, #tpu.memory_space<hbm>>
    %dma_start3A_72 = tpu.memref_slice %arg4[%multiple_of3A_70] : memref<320000xi32, #tpu.memory_space<hbm>> -> memref<80xi32, #tpu.memory_space<hbm>>
    tpu.enqueue_dma source(%dma_start3A_72 : memref<80xi32, #tpu.memory_space<hbm>>) target(%arg8 : memref<80xi32, #tpu.memory_space<vmem>>) target_semaphore(%arg16 : memref<!tpu.dma_semaphore, #tpu.memory_space<semaphore_mem>>)
    %dma_start3A_73 = arith.constant 9920 : i32
    %dma_start3A_74 = tpu.memref_slice %arg6[%dma_start3A_73] : memref<10000xi32, #tpu.memory_space<vmem>> -> memref<80xi32, #tpu.memory_space<vmem>>
    %dma_start3A_75 = arith.constant 0 : i32
    %dma_start3A_76 = arith.constant 0 : i32
    %dma_start3A_77 = tpu.memref_slice %arg2[%dma_start3A_75, %dma_start3A_76] : memref<10240x128xf32, #tpu.memory_space<hbm>> -> memref<10240x128xf32, #tpu.memory_space<hbm>>
    tpu.enqueue_indirect_dma source(%dma_start3A_77 : memref<10240x128xf32, #tpu.memory_space<hbm>>) target(%arg11 : memref<80x128xf32, #tpu.memory_space<vmem>>) offsets(%dma_start3A_74 : memref<80xi32, #tpu.memory_space<vmem>>) semaphore(%arg19 : memref<!tpu.dma_semaphore, #tpu.memory_space<semaphore_mem>>)
    %dma_wait3A_78 = arith.constant 9840 : i32
    %dma_wait3A_79 = tpu.memref_slice %arg6[%dma_wait3A_78] : memref<10000xi32, #tpu.memory_space<vmem>> -> memref<80xi32, #tpu.memory_space<vmem>>
    %dma_wait3A_80 = arith.constant 0 : i32
    %dma_wait3A_81 = arith.constant 0 : i32
    %dma_wait3A_82 = tpu.memref_slice %arg2[%dma_wait3A_80, %dma_wait3A_81] : memref<10240x128xf32, #tpu.memory_space<hbm>> -> memref<10240x128xf32, #tpu.memory_space<hbm>>
    tpu.wait_indirect_dma semaphore(%arg18 : memref<!tpu.dma_semaphore, #tpu.memory_space<semaphore_mem>>) src(%dma_wait3A_82 : memref<10240x128xf32, #tpu.memory_space<hbm>>) dst(%arg10 : memref<80x128xf32, #tpu.memory_space<vmem>>)
    %add3A_83 = arith.constant 9840 : i32
    %add3A_84 = arith.addi %mul3A_2, %add3A_83 : i32
    %multiple_of3A_85 = tpu.assume_multiple %add3A_84, 8 : i32
    %dma_wait3A_86 = tpu.memref_slice %arg4[%multiple_of3A_85] : memref<320000xi32, #tpu.memory_space<hbm>> -> memref<80xi32, #tpu.memory_space<hbm>>
    %dma_wait3A_87 = tpu.memref_slice %arg4[%multiple_of3A_85] : memref<320000xi32, #tpu.memory_space<hbm>> -> memref<80xi32, #tpu.memory_space<hbm>>
    tpu.wait_dma2 semaphore(%arg15 : memref<!tpu.dma_semaphore, #tpu.memory_space<semaphore_mem>>) src(%dma_wait3A_87 : memref<80xi32, #tpu.memory_space<hbm>>) dst(%arg7 : memref<80xi32, #tpu.memory_space<vmem>>)
    %dma_start3A_88 = arith.constant 0 : i32
    %dma_start3A_89 = arith.constant 0 : i32
    %dma_start3A_90 = tpu.memref_slice %arg13[%dma_start3A_88, %dma_start3A_89] : memref<10240x128xf32, #tpu.memory_space<vmem_shared>> -> memref<10240x128xf32, #tpu.memory_space<vmem_shared>>
    tpu.enqueue_indirect_dma source(%arg10 : memref<80x128xf32, #tpu.memory_space<vmem>>) target(%dma_start3A_90 : memref<10240x128xf32, #tpu.memory_space<vmem_shared>>) offsets(%arg7 : memref<80xi32, #tpu.memory_space<vmem>>) semaphore(%arg21 : memref<!tpu.dma_semaphore, #tpu.memory_space<semaphore_mem>>) {add = true}
    %dma_wait3A_91 = arith.constant 9920 : i32
    %dma_wait3A_92 = tpu.memref_slice %arg6[%dma_wait3A_91] : memref<10000xi32, #tpu.memory_space<vmem>> -> memref<80xi32, #tpu.memory_space<vmem>>
    %dma_wait3A_93 = arith.constant 0 : i32
    %dma_wait3A_94 = arith.constant 0 : i32
    %dma_wait3A_95 = tpu.memref_slice %arg2[%dma_wait3A_93, %dma_wait3A_94] : memref<10240x128xf32, #tpu.memory_space<hbm>> -> memref<10240x128xf32, #tpu.memory_space<hbm>>
    tpu.wait_indirect_dma semaphore(%arg19 : memref<!tpu.dma_semaphore, #tpu.memory_space<semaphore_mem>>) src(%dma_wait3A_95 : memref<10240x128xf32, #tpu.memory_space<hbm>>) dst(%arg11 : memref<80x128xf32, #tpu.memory_space<vmem>>)
    %add3A_96 = arith.constant 9920 : i32
    %add3A_97 = arith.addi %mul3A_2, %add3A_96 : i32
    %multiple_of3A_98 = tpu.assume_multiple %add3A_97, 8 : i32
    %dma_wait3A_99 = tpu.memref_slice %arg4[%multiple_of3A_98] : memref<320000xi32, #tpu.memory_space<hbm>> -> memref<80xi32, #tpu.memory_space<hbm>>
    %dma_wait3A_100 = tpu.memref_slice %arg4[%multiple_of3A_98] : memref<320000xi32, #tpu.memory_space<hbm>> -> memref<80xi32, #tpu.memory_space<hbm>>
    tpu.wait_dma2 semaphore(%arg16 : memref<!tpu.dma_semaphore, #tpu.memory_space<semaphore_mem>>) src(%dma_wait3A_100 : memref<80xi32, #tpu.memory_space<hbm>>) dst(%arg8 : memref<80xi32, #tpu.memory_space<vmem>>)
    %dma_start3A_101 = arith.constant 0 : i32
    %dma_start3A_102 = arith.constant 0 : i32
    %dma_start3A_103 = tpu.memref_slice %arg13[%dma_start3A_101, %dma_start3A_102] : memref<10240x128xf32, #tpu.memory_space<vmem_shared>> -> memref<10240x128xf32, #tpu.memory_space<vmem_shared>>
    tpu.enqueue_indirect_dma source(%arg11 : memref<80x128xf32, #tpu.memory_space<vmem>>) target(%dma_start3A_103 : memref<10240x128xf32, #tpu.memory_space<vmem_shared>>) offsets(%arg8 : memref<80xi32, #tpu.memory_space<vmem>>) semaphore(%arg22 : memref<!tpu.dma_semaphore, #tpu.memory_space<semaphore_mem>>) {add = true}
    %dma_wait3A_104 = arith.constant 0 : i32
    %dma_wait3A_105 = arith.constant 0 : i32
    %dma_wait3A_106 = tpu.memref_slice %arg13[%dma_wait3A_104, %dma_wait3A_105] : memref<10240x128xf32, #tpu.memory_space<vmem_shared>> -> memref<10240x128xf32, #tpu.memory_space<vmem_shared>>
    tpu.wait_indirect_dma semaphore(%arg23 : memref<!tpu.dma_semaphore, #tpu.memory_space<semaphore_mem>>) src(%arg12 : memref<80x128xf32, #tpu.memory_space<vmem>>) dst(%dma_wait3A_106 : memref<10240x128xf32, #tpu.memory_space<vmem_shared>>)
    %dma_wait3A_107 = arith.constant 0 : i32
    %dma_wait3A_108 = arith.constant 0 : i32
    %dma_wait3A_109 = tpu.memref_slice %arg13[%dma_wait3A_107, %dma_wait3A_108] : memref<10240x128xf32, #tpu.memory_space<vmem_shared>> -> memref<10240x128xf32, #tpu.memory_space<vmem_shared>>
    tpu.wait_indirect_dma semaphore(%arg21 : memref<!tpu.dma_semaphore, #tpu.memory_space<semaphore_mem>>) src(%arg10 : memref<80x128xf32, #tpu.memory_space<vmem>>) dst(%dma_wait3A_109 : memref<10240x128xf32, #tpu.memory_space<vmem_shared>>)
    %dma_wait3A_110 = arith.constant 0 : i32
    %dma_wait3A_111 = arith.constant 0 : i32
    %dma_wait3A_112 = tpu.memref_slice %arg13[%dma_wait3A_110, %dma_wait3A_111] : memref<10240x128xf32, #tpu.memory_space<vmem_shared>> -> memref<10240x128xf32, #tpu.memory_space<vmem_shared>>
    tpu.wait_indirect_dma semaphore(%arg22 : memref<!tpu.dma_semaphore, #tpu.memory_space<semaphore_mem>>) src(%arg11 : memref<80x128xf32, #tpu.memory_space<vmem>>) dst(%dma_wait3A_112 : memref<10240x128xf32, #tpu.memory_space<vmem_shared>>)
    %barrier3A_113 = arith.constant 0 : index
    tpu.barrier barrier_id(%barrier3A_113)
    %mul3A_114 = arith.constant 640 : i32
    %mul3A_115 = arith.muli %arg1, %mul3A_114 : i32
    %multiple_of3A_116 = tpu.assume_multiple %mul3A_115, 8 : i32
    "tpu.region"() ({
      %run_scoped3A = tpu.sem_alloc : memref<!tpu.dma_semaphore, #tpu.memory_space<semaphore_mem>>
      %dma_start3A_117 = arith.constant 0 : i32
      %dma_start3A_118 = tpu.memref_slice %arg5[%arg0, %multiple_of3A_116, %dma_start3A_117] : memref<2x10240x128xf32, #tpu.memory_space<hbm>> -> memref<1x640x128xf32, #tpu.memory_space<hbm>>
      %dma_start3A_119 = tpu.memref_squeeze %dma_start3A_118 : memref<1x640x128xf32, #tpu.memory_space<hbm>> -> memref<640x128xf32, #tpu.memory_space<hbm>>
      %dma_start3A_120 = arith.constant 0 : i32
      %dma_start3A_121 = tpu.memref_slice %arg13[%multiple_of3A_116, %dma_start3A_120] : memref<10240x128xf32, #tpu.memory_space<vmem_shared>> -> memref<640x128xf32, #tpu.memory_space<vmem_shared>>
      tpu.enqueue_dma source(%dma_start3A_121 : memref<640x128xf32, #tpu.memory_space<vmem_shared>>) target(%dma_start3A_119 : memref<640x128xf32, #tpu.memory_space<hbm>>) target_semaphore(%run_scoped3A : memref<!tpu.dma_semaphore, #tpu.memory_space<semaphore_mem>>)
      %dma_wait3A_122 = arith.constant 0 : i32
      %dma_wait3A_123 = tpu.memref_slice %arg5[%arg0, %multiple_of3A_116, %dma_wait3A_122] : memref<2x10240x128xf32, #tpu.memory_space<hbm>> -> memref<1x640x128xf32, #tpu.memory_space<hbm>>
      %dma_wait3A_124 = tpu.memref_squeeze %dma_wait3A_123 : memref<1x640x128xf32, #tpu.memory_space<hbm>> -> memref<640x128xf32, #tpu.memory_space<hbm>>
      %dma_wait3A_125 = arith.constant 0 : i32
      %dma_wait3A_126 = tpu.memref_slice %arg13[%multiple_of3A_116, %dma_wait3A_125] : memref<10240x128xf32, #tpu.memory_space<vmem_shared>> -> memref<640x128xf32, #tpu.memory_space<vmem_shared>>
      tpu.wait_dma2 semaphore(%run_scoped3A : memref<!tpu.dma_semaphore, #tpu.memory_space<semaphore_mem>>) src(%dma_wait3A_126 : memref<640x128xf32, #tpu.memory_space<vmem_shared>>) dst(%dma_wait3A_124 : memref<640x128xf32, #tpu.memory_space<hbm>>)
      tpu.yield
    }) : () -> ()
    return
  }
}

#map = affine_map<(d0, d1) -> (0)>
module attributes {stable_mosaic.version = 14 : i64} {
  func.func @_deg_kernel(%arg0: i32, %arg1: i32, %arg2: memref<320000xi32, #tpu.memory_space<hbm>>, %arg3: memref<20480xf32, #tpu.memory_space<hbm>>, %arg4: memref<10000xi32, #tpu.memory_space<vmem>>, %arg5: memref<80xf32, #tpu.memory_space<vmem>>, %arg6: memref<640xf32, #tpu.memory_space<vmem>>, %arg7: memref<10240xf32, #tpu.memory_space<vmem_shared>>, %arg8: memref<!tpu.dma_semaphore, #tpu.memory_space<semaphore_mem>>, %arg9: memref<!tpu.dma_semaphore, #tpu.memory_space<semaphore_mem>>) attributes {dimension_semantics = [#tpu.dimension_semantics<core_parallel>, #tpu.dimension_semantics<subcore_parallel>], iteration_bounds = array<i64: 2, 16>, scalar_prefetch = 0 : i64, scratch_operands = 6 : i64, tpu.core_type = #tpu.core_type<sc_vector_subcore>, window_params = [{transform_indices = #map}, {transform_indices = #map}]} {
    %mul3A = arith.constant 2 : i32
    %mul3A_0 = arith.muli %arg1, %mul3A : i32
    %add3A = arith.addi %mul3A_0, %arg0 : i32
    %mul3A_1 = arith.constant 10000 : i32
    %mul3A_2 = arith.muli %add3A, %mul3A_1 : i32
    %multiple_of3A = tpu.assume_multiple %mul3A_2, 8 : i32
    %dma_start3A = tpu.memref_slice %arg2[%multiple_of3A] : memref<320000xi32, #tpu.memory_space<hbm>> -> memref<10000xi32, #tpu.memory_space<hbm>>
    %dma_start3A_3 = tpu.memref_slice %arg2[%multiple_of3A] : memref<320000xi32, #tpu.memory_space<hbm>> -> memref<10000xi32, #tpu.memory_space<hbm>>
    tpu.enqueue_dma source(%dma_start3A_3 : memref<10000xi32, #tpu.memory_space<hbm>>) target(%arg4 : memref<10000xi32, #tpu.memory_space<vmem>>) target_semaphore(%arg8 : memref<!tpu.dma_semaphore, #tpu.memory_space<semaphore_mem>>)
    %broadcast_in_dim3A = arith.constant 1.000000e+00 : f32
    %broadcast_in_dim3A_4 = vector.broadcast %broadcast_in_dim3A : f32 to vector<16xf32>
    %scan3A = arith.constant 0 : i32
    %scan3A_5 = arith.constant 5 : i32
    %scan3A_6 = arith.addi %scan3A, %scan3A_5 : i32
    %scan3A_7 = arith.constant 1 : i32
    scf.for %scan3A_33 = %scan3A to %scan3A_6 step %scan3A_7  : i32 {
      %mul3A_34 = arith.constant 1 : i32
      %mul3A_35 = arith.muli %scan3A_33, %mul3A_34 : i32
      %add3A_36 = arith.constant 0 : i32
      %add3A_37 = arith.addi %add3A_36, %mul3A_35 : i32
      %mul3A_38 = arith.constant 16 : i32
      %mul3A_39 = arith.muli %add3A_37, %mul3A_38 : i32
      %swap3A = arith.index_cast %mul3A_39 : i32 to index
      %swap3A_40 = tpu.vector_load %arg5[%swap3A] {strides = array<i32>} : memref<80xf32, #tpu.memory_space<vmem>>, vector<16xf32>,
      %swap3A_41 = vector.shape_cast %swap3A_40 : vector<16xf32> to vector<16xf32>
      %swap3A_42 = vector.shape_cast %broadcast_in_dim3A_4 : vector<16xf32> to vector<16xf32>
      tpu.vector_store %arg5[%swap3A], %swap3A_42 {strides = array<i32>} : memref<80xf32, #tpu.memory_space<vmem>>, vector<16xf32>,
    }
    %scan3A_8 = arith.constant 5 : i32
    %broadcast_in_dim3A_9 = arith.constant 0.000000e+00 : f32
    %broadcast_in_dim3A_10 = vector.broadcast %broadcast_in_dim3A_9 : f32 to vector<16xf32>
    %scan3A_11 = arith.constant 0 : i32
    %scan3A_12 = arith.constant 40 : i32
    %scan3A_13 = arith.addi %scan3A_11, %scan3A_12 : i32
    %scan3A_14 = arith.constant 1 : i32
    scf.for %scan3A_33 = %scan3A_11 to %scan3A_13 step %scan3A_14  : i32 {
      %mul3A_34 = arith.constant 1 : i32
      %mul3A_35 = arith.muli %scan3A_33, %mul3A_34 : i32
      %add3A_36 = arith.constant 0 : i32
      %add3A_37 = arith.addi %add3A_36, %mul3A_35 : i32
      %mul3A_38 = arith.constant 16 : i32
      %mul3A_39 = arith.muli %add3A_37, %mul3A_38 : i32
      %swap3A = arith.index_cast %mul3A_39 : i32 to index
      %swap3A_40 = tpu.vector_load %arg6[%swap3A] {strides = array<i32>} : memref<640xf32, #tpu.memory_space<vmem>>, vector<16xf32>,
      %swap3A_41 = vector.shape_cast %swap3A_40 : vector<16xf32> to vector<16xf32>
      %swap3A_42 = vector.shape_cast %broadcast_in_dim3A_10 : vector<16xf32> to vector<16xf32>
      tpu.vector_store %arg6[%swap3A], %swap3A_42 {strides = array<i32>} : memref<640xf32, #tpu.memory_space<vmem>>, vector<16xf32>,
    }
    %scan3A_15 = arith.constant 40 : i32
    %mul3A_16 = arith.constant 640 : i32
    %mul3A_17 = arith.muli %arg1, %mul3A_16 : i32
    "tpu.region"() ({
      %run_scoped3A = tpu.sem_alloc : memref<!tpu.dma_semaphore, #tpu.memory_space<semaphore_mem>>
      %dma_start3A_33 = tpu.memref_slice %arg7[%mul3A_17] : memref<10240xf32, #tpu.memory_space<vmem_shared>> -> memref<640xf32, #tpu.memory_space<vmem_shared>>
      %dma_start3A_34 = tpu.memref_slice %arg7[%mul3A_17] : memref<10240xf32, #tpu.memory_space<vmem_shared>> -> memref<640xf32, #tpu.memory_space<vmem_shared>>
      tpu.enqueue_dma source(%arg6 : memref<640xf32, #tpu.memory_space<vmem>>) target(%dma_start3A_34 : memref<640xf32, #tpu.memory_space<vmem_shared>>) target_semaphore(%run_scoped3A : memref<!tpu.dma_semaphore, #tpu.memory_space<semaphore_mem>>)
      %dma_wait3A_35 = tpu.memref_slice %arg7[%mul3A_17] : memref<10240xf32, #tpu.memory_space<vmem_shared>> -> memref<640xf32, #tpu.memory_space<vmem_shared>>
      %dma_wait3A_36 = tpu.memref_slice %arg7[%mul3A_17] : memref<10240xf32, #tpu.memory_space<vmem_shared>> -> memref<640xf32, #tpu.memory_space<vmem_shared>>
      tpu.wait_dma2 semaphore(%run_scoped3A : memref<!tpu.dma_semaphore, #tpu.memory_space<semaphore_mem>>) src(%arg6 : memref<640xf32, #tpu.memory_space<vmem>>) dst(%dma_wait3A_36 : memref<640xf32, #tpu.memory_space<vmem_shared>>)
      tpu.yield
    }) : () -> ()
    %dma_wait3A = tpu.memref_slice %arg2[%multiple_of3A] : memref<320000xi32, #tpu.memory_space<hbm>> -> memref<10000xi32, #tpu.memory_space<hbm>>
    %dma_wait3A_18 = tpu.memref_slice %arg2[%multiple_of3A] : memref<320000xi32, #tpu.memory_space<hbm>> -> memref<10000xi32, #tpu.memory_space<hbm>>
    tpu.wait_dma2 semaphore(%arg8 : memref<!tpu.dma_semaphore, #tpu.memory_space<semaphore_mem>>) src(%dma_wait3A_18 : memref<10000xi32, #tpu.memory_space<hbm>>) dst(%arg4 : memref<10000xi32, #tpu.memory_space<vmem>>)
    %barrier3A = arith.constant 0 : index
    tpu.barrier barrier_id(%barrier3A)
    %scan3A_19 = arith.constant 0 : i32
    %scan3A_20 = arith.constant 25 : i32
    %scan3A_21 = arith.addi %scan3A_19, %scan3A_20 : i32
    %scan3A_22 = arith.constant 1 : i32
    scf.for %scan3A_33 = %scan3A_19 to %scan3A_21 step %scan3A_22  : i32 {
      %mul3A_34 = arith.constant 1 : i32
      %mul3A_35 = arith.muli %scan3A_33, %mul3A_34 : i32
      %add3A_36 = arith.constant 0 : i32
      %add3A_37 = arith.addi %add3A_36, %mul3A_35 : i32
      %mul3A_38 = arith.constant 5 : i32
      %mul3A_39 = arith.muli %add3A_37, %mul3A_38 : i32
      %add3A_40 = arith.constant 0 : i32
      %add3A_41 = arith.addi %mul3A_39, %add3A_40 : i32
      %mul3A_42 = arith.constant 80 : i32
      %mul3A_43 = arith.muli %add3A_41, %mul3A_42 : i32
      %dma_start3A_44 = tpu.memref_slice %arg4[%mul3A_43] : memref<10000xi32, #tpu.memory_space<vmem>> -> memref<80xi32, #tpu.memory_space<vmem>>
      %dma_start3A_45 = arith.constant 0 : i32
      %dma_start3A_46 = tpu.memref_slice %arg7[%dma_start3A_45] : memref<10240xf32, #tpu.memory_space<vmem_shared>> -> memref<10240xf32, #tpu.memory_space<vmem_shared>>
      tpu.enqueue_indirect_dma source(%arg5 : memref<80xf32, #tpu.memory_space<vmem>>) target(%dma_start3A_46 : memref<10240xf32, #tpu.memory_space<vmem_shared>>) offsets(%dma_start3A_44 : memref<80xi32, #tpu.memory_space<vmem>>) semaphore(%arg9 : memref<!tpu.dma_semaphore, #tpu.memory_space<semaphore_mem>>) {add = true}
      %mul3A_47 = arith.constant 5 : i32
      %mul3A_48 = arith.muli %add3A_37, %mul3A_47 : i32
      %add3A_49 = arith.constant 1 : i32
      %add3A_50 = arith.addi %mul3A_48, %add3A_49 : i32
      %mul3A_51 = arith.constant 80 : i32
      %mul3A_52 = arith.muli %add3A_50, %mul3A_51 : i32
      %dma_start3A_53 = tpu.memref_slice %arg4[%mul3A_52] : memref<10000xi32, #tpu.memory_space<vmem>> -> memref<80xi32, #tpu.memory_space<vmem>>
      %dma_start3A_54 = arith.constant 0 : i32
      %dma_start3A_55 = tpu.memref_slice %arg7[%dma_start3A_54] : memref<10240xf32, #tpu.memory_space<vmem_shared>> -> memref<10240xf32, #tpu.memory_space<vmem_shared>>
      tpu.enqueue_indirect_dma source(%arg5 : memref<80xf32, #tpu.memory_space<vmem>>) target(%dma_start3A_55 : memref<10240xf32, #tpu.memory_space<vmem_shared>>) offsets(%dma_start3A_53 : memref<80xi32, #tpu.memory_space<vmem>>) semaphore(%arg9 : memref<!tpu.dma_semaphore, #tpu.memory_space<semaphore_mem>>) {add = true}
      %mul3A_56 = arith.constant 5 : i32
      %mul3A_57 = arith.muli %add3A_37, %mul3A_56 : i32
      %add3A_58 = arith.constant 2 : i32
      %add3A_59 = arith.addi %mul3A_57, %add3A_58 : i32
      %mul3A_60 = arith.constant 80 : i32
      %mul3A_61 = arith.muli %add3A_59, %mul3A_60 : i32
      %dma_start3A_62 = tpu.memref_slice %arg4[%mul3A_61] : memref<10000xi32, #tpu.memory_space<vmem>> -> memref<80xi32, #tpu.memory_space<vmem>>
      %dma_start3A_63 = arith.constant 0 : i32
      %dma_start3A_64 = tpu.memref_slice %arg7[%dma_start3A_63] : memref<10240xf32, #tpu.memory_space<vmem_shared>> -> memref<10240xf32, #tpu.memory_space<vmem_shared>>
      tpu.enqueue_indirect_dma source(%arg5 : memref<80xf32, #tpu.memory_space<vmem>>) target(%dma_start3A_64 : memref<10240xf32, #tpu.memory_space<vmem_shared>>) offsets(%dma_start3A_62 : memref<80xi32, #tpu.memory_space<vmem>>) semaphore(%arg9 : memref<!tpu.dma_semaphore, #tpu.memory_space<semaphore_mem>>) {add = true}
      %mul3A_65 = arith.constant 5 : i32
      %mul3A_66 = arith.muli %add3A_37, %mul3A_65 : i32
      %add3A_67 = arith.constant 3 : i32
      %add3A_68 = arith.addi %mul3A_66, %add3A_67 : i32
      %mul3A_69 = arith.constant 80 : i32
      %mul3A_70 = arith.muli %add3A_68, %mul3A_69 : i32
      %dma_start3A_71 = tpu.memref_slice %arg4[%mul3A_70] : memref<10000xi32, #tpu.memory_space<vmem>> -> memref<80xi32, #tpu.memory_space<vmem>>
      %dma_start3A_72 = arith.constant 0 : i32
      %dma_start3A_73 = tpu.memref_slice %arg7[%dma_start3A_72] : memref<10240xf32, #tpu.memory_space<vmem_shared>> -> memref<10240xf32, #tpu.memory_space<vmem_shared>>
      tpu.enqueue_indirect_dma source(%arg5 : memref<80xf32, #tpu.memory_space<vmem>>) target(%dma_start3A_73 : memref<10240xf32, #tpu.memory_space<vmem_shared>>) offsets(%dma_start3A_71 : memref<80xi32, #tpu.memory_space<vmem>>) semaphore(%arg9 : memref<!tpu.dma_semaphore, #tpu.memory_space<semaphore_mem>>) {add = true}
      %mul3A_74 = arith.constant 5 : i32
      %mul3A_75 = arith.muli %add3A_37, %mul3A_74 : i32
      %add3A_76 = arith.constant 4 : i32
      %add3A_77 = arith.addi %mul3A_75, %add3A_76 : i32
      %mul3A_78 = arith.constant 80 : i32
      %mul3A_79 = arith.muli %add3A_77, %mul3A_78 : i32
      %dma_start3A_80 = tpu.memref_slice %arg4[%mul3A_79] : memref<10000xi32, #tpu.memory_space<vmem>> -> memref<80xi32, #tpu.memory_space<vmem>>
      %dma_start3A_81 = arith.constant 0 : i32
      %dma_start3A_82 = tpu.memref_slice %arg7[%dma_start3A_81] : memref<10240xf32, #tpu.memory_space<vmem_shared>> -> memref<10240xf32, #tpu.memory_space<vmem_shared>>
      tpu.enqueue_indirect_dma source(%arg5 : memref<80xf32, #tpu.memory_space<vmem>>) target(%dma_start3A_82 : memref<10240xf32, #tpu.memory_space<vmem_shared>>) offsets(%dma_start3A_80 : memref<80xi32, #tpu.memory_space<vmem>>) semaphore(%arg9 : memref<!tpu.dma_semaphore, #tpu.memory_space<semaphore_mem>>) {add = true}
      %dma_wait3A_83 = tpu.memref_slice %arg4[%mul3A_43] : memref<10000xi32, #tpu.memory_space<vmem>> -> memref<80xi32, #tpu.memory_space<vmem>>
      %dma_wait3A_84 = arith.constant 0 : i32
      %dma_wait3A_85 = tpu.memref_slice %arg7[%dma_wait3A_84] : memref<10240xf32, #tpu.memory_space<vmem_shared>> -> memref<10240xf32, #tpu.memory_space<vmem_shared>>
      tpu.wait_indirect_dma semaphore(%arg9 : memref<!tpu.dma_semaphore, #tpu.memory_space<semaphore_mem>>) src(%arg5 : memref<80xf32, #tpu.memory_space<vmem>>) dst(%dma_wait3A_85 : memref<10240xf32, #tpu.memory_space<vmem_shared>>)
      %dma_wait3A_86 = tpu.memref_slice %arg4[%mul3A_52] : memref<10000xi32, #tpu.memory_space<vmem>> -> memref<80xi32, #tpu.memory_space<vmem>>
      %dma_wait3A_87 = arith.constant 0 : i32
      %dma_wait3A_88 = tpu.memref_slice %arg7[%dma_wait3A_87] : memref<10240xf32, #tpu.memory_space<vmem_shared>> -> memref<10240xf32, #tpu.memory_space<vmem_shared>>
      tpu.wait_indirect_dma semaphore(%arg9 : memref<!tpu.dma_semaphore, #tpu.memory_space<semaphore_mem>>) src(%arg5 : memref<80xf32, #tpu.memory_space<vmem>>) dst(%dma_wait3A_88 : memref<10240xf32, #tpu.memory_space<vmem_shared>>)
      %dma_wait3A_89 = tpu.memref_slice %arg4[%mul3A_61] : memref<10000xi32, #tpu.memory_space<vmem>> -> memref<80xi32, #tpu.memory_space<vmem>>
      %dma_wait3A_90 = arith.constant 0 : i32
      %dma_wait3A_91 = tpu.memref_slice %arg7[%dma_wait3A_90] : memref<10240xf32, #tpu.memory_space<vmem_shared>> -> memref<10240xf32, #tpu.memory_space<vmem_shared>>
      tpu.wait_indirect_dma semaphore(%arg9 : memref<!tpu.dma_semaphore, #tpu.memory_space<semaphore_mem>>) src(%arg5 : memref<80xf32, #tpu.memory_space<vmem>>) dst(%dma_wait3A_91 : memref<10240xf32, #tpu.memory_space<vmem_shared>>)
      %dma_wait3A_92 = tpu.memref_slice %arg4[%mul3A_70] : memref<10000xi32, #tpu.memory_space<vmem>> -> memref<80xi32, #tpu.memory_space<vmem>>
      %dma_wait3A_93 = arith.constant 0 : i32
      %dma_wait3A_94 = tpu.memref_slice %arg7[%dma_wait3A_93] : memref<10240xf32, #tpu.memory_space<vmem_shared>> -> memref<10240xf32, #tpu.memory_space<vmem_shared>>
      tpu.wait_indirect_dma semaphore(%arg9 : memref<!tpu.dma_semaphore, #tpu.memory_space<semaphore_mem>>) src(%arg5 : memref<80xf32, #tpu.memory_space<vmem>>) dst(%dma_wait3A_94 : memref<10240xf32, #tpu.memory_space<vmem_shared>>)
      %dma_wait3A_95 = tpu.memref_slice %arg4[%mul3A_79] : memref<10000xi32, #tpu.memory_space<vmem>> -> memref<80xi32, #tpu.memory_space<vmem>>
      %dma_wait3A_96 = arith.constant 0 : i32
      %dma_wait3A_97 = tpu.memref_slice %arg7[%dma_wait3A_96] : memref<10240xf32, #tpu.memory_space<vmem_shared>> -> memref<10240xf32, #tpu.memory_space<vmem_shared>>
      tpu.wait_indirect_dma semaphore(%arg9 : memref<!tpu.dma_semaphore, #tpu.memory_space<semaphore_mem>>) src(%arg5 : memref<80xf32, #tpu.memory_space<vmem>>) dst(%dma_wait3A_97 : memref<10240xf32, #tpu.memory_space<vmem_shared>>)
    }
    %scan3A_23 = arith.constant 25 : i32
    %barrier3A_24 = arith.constant 0 : index
    tpu.barrier barrier_id(%barrier3A_24)
    %mul3A_25 = arith.constant 640 : i32
    %mul3A_26 = arith.muli %arg1, %mul3A_25 : i32
    "tpu.region"() ({
      %run_scoped3A = tpu.sem_alloc : memref<!tpu.dma_semaphore, #tpu.memory_space<semaphore_mem>>
      %dma_start3A_33 = tpu.memref_slice %arg7[%mul3A_26] : memref<10240xf32, #tpu.memory_space<vmem_shared>> -> memref<640xf32, #tpu.memory_space<vmem_shared>>
      %dma_start3A_34 = tpu.memref_slice %arg7[%mul3A_26] : memref<10240xf32, #tpu.memory_space<vmem_shared>> -> memref<640xf32, #tpu.memory_space<vmem_shared>>
      tpu.enqueue_dma source(%dma_start3A_34 : memref<640xf32, #tpu.memory_space<vmem_shared>>) target(%arg6 : memref<640xf32, #tpu.memory_space<vmem>>) target_semaphore(%run_scoped3A : memref<!tpu.dma_semaphore, #tpu.memory_space<semaphore_mem>>)
      %dma_wait3A_35 = tpu.memref_slice %arg7[%mul3A_26] : memref<10240xf32, #tpu.memory_space<vmem_shared>> -> memref<640xf32, #tpu.memory_space<vmem_shared>>
      %dma_wait3A_36 = tpu.memref_slice %arg7[%mul3A_26] : memref<10240xf32, #tpu.memory_space<vmem_shared>> -> memref<640xf32, #tpu.memory_space<vmem_shared>>
      tpu.wait_dma2 semaphore(%run_scoped3A : memref<!tpu.dma_semaphore, #tpu.memory_space<semaphore_mem>>) src(%dma_wait3A_36 : memref<640xf32, #tpu.memory_space<vmem_shared>>) dst(%arg6 : memref<640xf32, #tpu.memory_space<vmem>>)
      tpu.yield
    }) : () -> ()
    %mul3A_27 = arith.constant 10240 : i32
    %mul3A_28 = arith.muli %arg0, %mul3A_27 : i32
    %mul3A_29 = arith.constant 640 : i32
    %mul3A_30 = arith.muli %arg1, %mul3A_29 : i32
    %add3A_31 = arith.addi %mul3A_28, %mul3A_30 : i32
    %multiple_of3A_32 = tpu.assume_multiple %add3A_31, 8 : i32
    "tpu.region"() ({
      %run_scoped3A = tpu.sem_alloc : memref<!tpu.dma_semaphore, #tpu.memory_space<semaphore_mem>>
      %dma_start3A_33 = tpu.memref_slice %arg3[%multiple_of3A_32] : memref<20480xf32, #tpu.memory_space<hbm>> -> memref<640xf32, #tpu.memory_space<hbm>>
      %dma_start3A_34 = tpu.memref_slice %arg3[%multiple_of3A_32] : memref<20480xf32, #tpu.memory_space<hbm>> -> memref<640xf32, #tpu.memory_space<hbm>>
      tpu.enqueue_dma source(%arg6 : memref<640xf32, #tpu.memory_space<vmem>>) target(%dma_start3A_34 : memref<640xf32, #tpu.memory_space<hbm>>) target_semaphore(%run_scoped3A : memref<!tpu.dma_semaphore, #tpu.memory_space<semaphore_mem>>)
      %dma_wait3A_35 = tpu.memref_slice %arg3[%multiple_of3A_32] : memref<20480xf32, #tpu.memory_space<hbm>> -> memref<640xf32, #tpu.memory_space<hbm>>
      %dma_wait3A_36 = tpu.memref_slice %arg3[%multiple_of3A_32] : memref<20480xf32, #tpu.memory_space<hbm>> -> memref<640xf32, #tpu.memory_space<hbm>>
      tpu.wait_dma2 semaphore(%run_scoped3A : memref<!tpu.dma_semaphore, #tpu.memory_space<semaphore_mem>>) src(%arg6 : memref<640xf32, #tpu.memory_space<vmem>>) dst(%dma_wait3A_36 : memref<640xf32, #tpu.memory_space<hbm>>)
      tpu.yield
    }) : () -> ()
    return
  }
}

module attributes {stable_mosaic.version = 14 : i64} {
  func.func @_k4_body(%arg0: i32, %arg1: memref<2x2048x128xf32, #tpu.memory_space<vmem>>, %arg2: memref<2048xf32, #tpu.memory_space<vmem>>, %arg3: memref<2048xf32, #tpu.memory_space<vmem>>, %arg4: memref<128xf32, #tpu.memory_space<vmem>>, %arg5: memref<128x128xf32, #tpu.memory_space<vmem>>, %arg6: memref<128xf32, #tpu.memory_space<vmem>>, %arg7: memref<2048x128xf32, #tpu.memory_space<vmem>>) attributes {dimension_semantics = [#tpu.dimension_semantics<arbitrary>], iteration_bounds = array<i64: 5>, scalar_prefetch = 0 : i64, scratch_operands = 0 : i64, tpu.core_type = #tpu.core_type<tc>, window_params = [{transform_indices = @transform_0, window_bounds = array<i64: 2, 2048, 128>}, {transform_indices = @transform_1, window_bounds = array<i64: 2048>}, {transform_indices = @transform_2, window_bounds = array<i64: 2048>}, {pipeline_mode = #tpu.pipeline_mode<synchronous>, transform_indices = @transform_3, window_bounds = array<i64: 128>}, {pipeline_mode = #tpu.pipeline_mode<synchronous>, transform_indices = @transform_4, window_bounds = array<i64: 128, 128>}, {pipeline_mode = #tpu.pipeline_mode<synchronous>, transform_indices = @transform_5, window_bounds = array<i64: 128>}, {transform_indices = @transform_6, window_bounds = array<i64: 2048, 128>}]} {
    %get3A = arith.constant 0 : index
    %get3A_0 = arith.constant 0 : index
    %get3A_1 = arith.constant 0 : index
    %get3A_2 = vector.load %arg1[%get3A, %get3A_0, %get3A_1] : memref<2x2048x128xf32, #tpu.memory_space<vmem>>, vector<2x2048x128xf32>
    %slice3A = vector.extract_strided_slice %get3A_2 {offsets = [0, 0, 0], sizes = [1, 2048, 128], strides = [1, 1, 1]} : vector<2x2048x128xf32> to vector<1x2048x128xf32>
    %squeeze3A = vector.shape_cast %slice3A : vector<1x2048x128xf32> to vector<2048x128xf32>
    %slice3A_3 = vector.extract_strided_slice %get3A_2 {offsets = [1, 0, 0], sizes = [1, 2048, 128], strides = [1, 1, 1]} : vector<2x2048x128xf32> to vector<1x2048x128xf32>
    %squeeze3A_4 = vector.shape_cast %slice3A_3 : vector<1x2048x128xf32> to vector<2048x128xf32>
    %add3A = arith.addf %squeeze3A, %squeeze3A_4 : vector<2048x128xf32>
    %get3A_5 = arith.constant 0 : index
    %get3A_6 = vector.load %arg2[%get3A_5] : memref<2048xf32, #tpu.memory_space<vmem>>, vector<2048xf32>
    %get3A_7 = arith.constant 0 : index
    %get3A_8 = vector.load %arg3[%get3A_7] : memref<2048xf32, #tpu.memory_space<vmem>>, vector<2048xf32>
    %add3A_9 = arith.addf %get3A_6, %get3A_8 : vector<2048xf32>
    %sqrt3A = math.sqrt %add3A_9 : vector<2048xf32>
    %broadcast_in_dim3A = vector.shape_cast %sqrt3A : vector<2048xf32> to vector<2048x1xf32>
    %mul3A = vector.broadcast %broadcast_in_dim3A : vector<2048x1xf32> to vector<2048x128xf32>
    %mul3A_10 = arith.mulf %add3A, %mul3A : vector<2048x128xf32>
    %get3A_11 = arith.constant 0 : index
    %get3A_12 = vector.load %arg4[%get3A_11] : memref<128xf32, #tpu.memory_space<vmem>>, vector<128xf32>
    %broadcast_in_dim3A_13 = vector.shape_cast %get3A_12 : vector<128xf32> to vector<1x128xf32>
    %add3A_14 = vector.broadcast %broadcast_in_dim3A_13 : vector<1x128xf32> to vector<2048x128xf32>
    %add3A_15 = arith.addf %mul3A_10, %add3A_14 : vector<2048x128xf32>
    %get3A_16 = arith.constant 0 : index
    %get3A_17 = arith.constant 0 : index
    %get3A_18 = vector.load %arg5[%get3A_16, %get3A_17] : memref<128x128xf32, #tpu.memory_space<vmem>>, vector<128x128xf32>
    %dot_general3A = arith.constant dense<0.000000e+00> : vector<2048x128xf32>
    %dot_general3A_19 = tpu.matmul %add3A_15, %get3A_18, %dot_general3A {dimension_numbers = #tpu.dot_dimension_numbers<[1], [1], [0], [0], [0, 0, 1, 0], [], []>, transpose_lhs_hint = false} : vector<2048x128xf32>, vector<128x128xf32>, vector<2048x128xf32> -> vector<2048x128xf32>
    %get3A_20 = arith.constant 0 : index
    %get3A_21 = vector.load %arg6[%get3A_20] : memref<128xf32, #tpu.memory_space<vmem>>, vector<128xf32>
    %broadcast_in_dim3A_22 = vector.shape_cast %get3A_21 : vector<128xf32> to vector<1x128xf32>
    %add3A_23 = vector.broadcast %broadcast_in_dim3A_22 : vector<1x128xf32> to vector<2048x128xf32>
    %add3A_24 = arith.addf %dot_general3A_19, %add3A_23 : vector<2048x128xf32>
    %swap3A = arith.constant 0 : index
    %swap3A_25 = arith.constant 0 : index
    %swap3A_26 = vector.load %arg7[%swap3A, %swap3A_25] : memref<2048x128xf32, #tpu.memory_space<vmem>>, vector<2048x128xf32>
    tpu.vector_store %arg7[%swap3A, %swap3A_25], %add3A_24 {strides = array<i32>} : memref<2048x128xf32, #tpu.memory_space<vmem>>, vector<2048x128xf32>,
    return
  }
  func.func @transform_0(%arg0: i32) -> (i32, i32, i32) {
    %c0_i32 = arith.constant 0 : i32
    %c0_i32_0 = arith.constant 0 : i32
    %c0_i32_1 = arith.constant 0 : i32
    return %c0_i32, %arg0, %c0_i32_0 : i32, i32, i32
  }
  func.func @transform_1(%arg0: i32) -> i32 {
    %c0_i32 = arith.constant 0 : i32
    return %arg0 : i32
  }
  func.func @transform_2(%arg0: i32) -> i32 {
    %add3A = arith.constant 5 : i32
    %add3A_0 = arith.addi %arg0, %add3A : i32
    %c0_i32 = arith.constant 0 : i32
    return %add3A_0 : i32
  }
  func.func @transform_3(%arg0: i32) -> i32 {
    %c0_i32 = arith.constant 0 : i32
    %c0_i32_0 = arith.constant 0 : i32
    return %c0_i32 : i32
  }
  func.func @transform_4(%arg0: i32) -> (i32, i32) {
    %c0_i32 = arith.constant 0 : i32
    %c0_i32_0 = arith.constant 0 : i32
    %c0_i32_1 = arith.constant 0 : i32
    return %c0_i32, %c0_i32_0 : i32, i32
  }
  func.func @transform_5(%arg0: i32) -> i32 {
    %c0_i32 = arith.constant 0 : i32
    %c0_i32_0 = arith.constant 0 : i32
    return %c0_i32 : i32
  }
  func.func @transform_6(%arg0: i32) -> (i32, i32) {
    %c0_i32 = arith.constant 0 : i32
    %c0_i32_0 = arith.constant 0 : i32
    return %arg0, %c0_i32 : i32, i32
  }
}

module attributes {stable_mosaic.version = 14 : i64} {
  func.func @_k2_body(%arg0: i32, %arg1: memref<2048xf32, #tpu.memory_space<vmem>>, %arg2: memref<2048xf32, #tpu.memory_space<vmem>>, %arg3: memref<2048x128xf32, #tpu.memory_space<vmem>>, %arg4: memref<128x128xf32, #tpu.memory_space<vmem>>, %arg5: memref<2048x128xf32, #tpu.memory_space<vmem>>) attributes {dimension_semantics = [#tpu.dimension_semantics<arbitrary>], iteration_bounds = array<i64: 5>, scalar_prefetch = 0 : i64, scratch_operands = 0 : i64, tpu.core_type = #tpu.core_type<tc>, window_params = [{transform_indices = @transform_0, window_bounds = array<i64: 2048>}, {transform_indices = @transform_1, window_bounds = array<i64: 2048>}, {transform_indices = @transform_2, window_bounds = array<i64: 2048, 128>}, {pipeline_mode = #tpu.pipeline_mode<synchronous>, transform_indices = @transform_3, window_bounds = array<i64: 128, 128>}, {transform_indices = @transform_4, window_bounds = array<i64: 2048, 128>}]} {
    %get3A = arith.constant 0 : index
    %get3A_0 = vector.load %arg1[%get3A] : memref<2048xf32, #tpu.memory_space<vmem>>, vector<2048xf32>
    %get3A_1 = arith.constant 0 : index
    %get3A_2 = vector.load %arg2[%get3A_1] : memref<2048xf32, #tpu.memory_space<vmem>>, vector<2048xf32>
    %add3A = arith.addf %get3A_0, %get3A_2 : vector<2048xf32>
    %sqrt3A = math.sqrt %add3A : vector<2048xf32>
    %get3A_3 = arith.constant 0 : index
    %get3A_4 = arith.constant 0 : index
    %get3A_5 = vector.load %arg3[%get3A_3, %get3A_4] : memref<2048x128xf32, #tpu.memory_space<vmem>>, vector<2048x128xf32>
    %get3A_6 = arith.constant 0 : index
    %get3A_7 = arith.constant 0 : index
    %get3A_8 = vector.load %arg4[%get3A_6, %get3A_7] : memref<128x128xf32, #tpu.memory_space<vmem>>, vector<128x128xf32>
    %dot_general3A = arith.constant dense<0.000000e+00> : vector<2048x128xf32>
    %dot_general3A_9 = tpu.matmul %get3A_5, %get3A_8, %dot_general3A {dimension_numbers = #tpu.dot_dimension_numbers<[1], [1], [0], [0], [0, 0, 1, 0], [], []>, transpose_lhs_hint = false} : vector<2048x128xf32>, vector<128x128xf32>, vector<2048x128xf32> -> vector<2048x128xf32>
    %broadcast_in_dim3A = vector.shape_cast %sqrt3A : vector<2048xf32> to vector<2048x1xf32>
    %mul3A = vector.broadcast %broadcast_in_dim3A : vector<2048x1xf32> to vector<2048x128xf32>
    %mul3A_10 = arith.mulf %dot_general3A_9, %mul3A : vector<2048x128xf32>
    %swap3A = arith.constant 0 : index
    %swap3A_11 = arith.constant 0 : index
    %swap3A_12 = vector.load %arg5[%swap3A, %swap3A_11] : memref<2048x128xf32, #tpu.memory_space<vmem>>, vector<2048x128xf32>
    tpu.vector_store %arg5[%swap3A, %swap3A_11], %mul3A_10 {strides = array<i32>} : memref<2048x128xf32, #tpu.memory_space<vmem>>, vector<2048x128xf32>,
    return
  }
  func.func @transform_0(%arg0: i32) -> i32 {
    %c0_i32 = arith.constant 0 : i32
    return %arg0 : i32
  }
  func.func @transform_1(%arg0: i32) -> i32 {
    %add3A = arith.constant 5 : i32
    %add3A_0 = arith.addi %arg0, %add3A : i32
    %c0_i32 = arith.constant 0 : i32
    return %add3A_0 : i32
  }
  func.func @transform_2(%arg0: i32) -> (i32, i32) {
    %c0_i32 = arith.constant 0 : i32
    %c0_i32_0 = arith.constant 0 : i32
    return %arg0, %c0_i32 : i32, i32
  }
  func.func @transform_3(%arg0: i32) -> (i32, i32) {
    %c0_i32 = arith.constant 0 : i32
    %c0_i32_0 = arith.constant 0 : i32
    %c0_i32_1 = arith.constant 0 : i32
    return %c0_i32, %c0_i32_0 : i32, i32
  }
  func.func @transform_4(%arg0: i32) -> (i32, i32) {
    %c0_i32 = arith.constant 0 : i32
    %c0_i32_0 = arith.constant 0 : i32
    return %arg0, %c0_i32 : i32, i32
  }
}

</mosaic_0001>

<sc_bundles>
// kernel: kernel.6.cloned.1.call-start
scs
__scs_entry_jumppad:
0x0: {  	(pc) =	sbr.rel $0x88, $3  }
0x1: {  	(tag) =	ssettag $0x0;
	lr =	simm.s32 $0x1  }
0x2: {  	[smem:$0x3F9B] =	sst lr;
	_ =	strace $0xD0000000  }
0x3: {  	_ = 	snop  }
0x4: {  	_ = 	snop  }
0x5: {  	_ = 	snop  }
0x6: {  	_ = 	snop  }
0x7: {  	_ = 	snop  }
__scs_overlays_trampoline_lowered:
0x8: {  	[smem:$0x3FAA] =	sst s0  }
0x9: {  	[smem:$0x3FAB] =	sst s1  }
0xa: {  	[smem:$0x3FAC] =	sst s2  }
0xb: {  	[smem:$0x3FAD] =	sst s3  }
0xc: {  	[smem:$0x3FAE] =	sst s4  }
0xd: {  	[smem:$0x3FAF] =	sst s5  }
0xe: {  	[smem:$0x3FB0] =	sst s6  }
0xf: {  	[smem:$0x3FB1] =	sst s7  }
0x10: {  	[smem:$0x3FB2] =	sst s8  }
0x11: {  	[smem:$0x3FB3] =	sst s9;
	s0 =	simm.s32 @!p0 $0x0  }
0x12: {  	s1 =	sld [smem:$0x3F99];
	s0 =	simm.s32 @p0 $0x1  }
0x13: {  	[smem:$0x3FB4] =	sst s0;
	s0 =	simm.s32 @!p1 $0x0  }
0x14: {  	s2 =	sld [smem:$0x3F98];
	s0 =	simm.s32 @p1 $0x1  }
0x15: {  	[smem:$0x3FB5] =	sst s0;
	s0 =	simm.s32 @!p2 $0x0  }
0x16: {  	s3 =	sld [smem:$0x3FDB];
	s0 =	simm.s32 @p2 $0x1  }
0x17: {  	s4 =	simm.s32 $0x1BF5;
	[smem:$0x3FB7] =	sst s0  }
0x18: {  	s0 =	sld [smem:$0x3F9A];
	_ =	swait.ge [sflag:s4], $0x0  }
0x19: {  	s7 =	sld [smem:$0x3F9B]  }
0x1a: {  	s8 =	sadd.s32 $0xFFFFE003, lr  }
0x1b: {  	s9 =	sadd.s32 $0xFFFFFEF7, lr;
	s5 =	simm.s32 $0xFFFFFFFF;
	p2 =	slt.u32 s8, $0xFFFFF086  }
0x1c: {  	p1 =	slt.u32 s9, $0xF7A;
	s5 =	simm.s32 @!p2 $0x0  }
0x1d: {  	s5 =	simm.s32 @p1 $0x1;
	p0 =	seq.s32 s7, s2  }
0x1e: {  	s7 =	smul.u32 @!p0 $0xF7A, s2;
	p2 =	seq.s32 @!p0 s5, $0x0  }
0x1f: {  	s9 =	smul.u32 $0xF7A, s1;
	s8 =	simm.s32 @!p0 $0x1BF5;
	p2 =	por !p2, p0  }
0x20: {  	[sflag:s8] =	ssyncset.s32 @!p0 $0xFFFFF086;
	s6 =	sadd.s32 @!p0 s3, s7;
	s7 =	simm.s32 @!p0 $0x108  }
0x21: {  	s3 =	sadd.s32 s3, s9;
	s6 =	sadd.s32 @!p0 $0x88, s6;
	s7 =	simm.s32 @p2 $0x1082  }
0x22: {  	[simem:s7], [sflag:s8] =	dma.local @!p0 [hbm:s6], $0xF7A  }
0x23: {  	s9 =	sor.u32 $0xD0000000, s2;
	s6 =	simm.s32 $0x108;
	_ =	swait.ge @!p0 [sflag:s8], $0x0  }
0x24: {  	s3 =	sadd.s32 $0x88, s3;
	s6 =	simm.s32 @!p1 $0x1082;
	[sflag:s4] =	ssyncset.s32 $0xFFFFF086  }
0x25: {  	[simem:s6], [sflag:s4] =	dma.local [hbm:s3], $0xF7A  }
0x26: {  	[smem:$0x3F9B] =	sst s1;
	(tag) =	ssettag s2;
	_ =	strace s9  }
0x27: {  	s1 =	sld [smem:$0x3FAB]  }
0x28: {  	s2 =	sld [smem:$0x3FAC]  }
0x29: {  	s4 =	sld [smem:$0x3FAE]  }
0x2a: {  	p0 =	seq.s32 s5, $0x0;
	s5 =	sld [smem:$0x3FAF]  }
0x2b: {  	s6 =	sld [smem:$0x3FB0]  }
0x2c: {  	s7 =	sld [smem:$0x3FB1]  }
0x2d: {  	s3 =	simm.s32 $0x108;
	s8 =	sld [smem:$0x3FB2]  }
0x2e: {  	s3 =	simm.s32 @!p0 $0x1082;
	s9 =	sld [smem:$0x3FB3]  }
0x2f: {  	lr =	sadd.s32 s0, s3;
	s0 =	sld [smem:$0x3FAA]  }
0x30: {  	s3 =	sld [smem:$0x3FAD]  }
0x31: {  	[smem:$0x3FB6] =	sst s10  }
0x32: {  	s10 =	sld [smem:$0x3FB4];
	_ =	sdelay $0x3  }
0x33: {  	p0 =	seq.s32 s10, $0x1;
	s10 =	sld [smem:$0x3FB6];
	_ =	sdelay $0x3  }
0x34: {  	[smem:$0x3FB6] =	sst s10  }
0x35: {  	s10 =	sld [smem:$0x3FB5];
	_ =	sdelay $0x3  }
0x36: {  	p1 =	seq.s32 s10, $0x1;
	s10 =	sld [smem:$0x3FB6];
	_ =	sdelay $0x3  }
0x37: {  	[smem:$0x3FB6] =	sst s10  }
0x38: {  	s10 =	sld [smem:$0x3FB7]  }
0x39: {  	_ = 	snop;
	(pc) =	sbr.ind lr, $3  }
0x3a: {  	_ = 	snop  }
0x3b: {  	_ = 	snop  }
0x3c: {  	p2 =	seq.s32 s10, $0x1;
	s10 =	sld [smem:$0x3FB6]  }
0x3d: {  	_ =	shalt  }
0x3e: {  	_ =	shalt  }
0x3f: {  	_ =	shalt  }
0x40: {  	_ =	shalt  }
0x41: {  	_ =	shalt  }
0x42: {  	_ =	shalt  }
0x43: {  	_ =	shalt  }
0x44: {  	_ =	shalt  }
0x45: {  	_ =	shalt  }
0x46: {  	_ =	shalt  }
0x47: {  	_ =	shalt  }
0x48: {  	_ =	shalt  }
0x49: {  	_ =	shalt  }
0x4a: {  	_ =	shalt  }
0x4b: {  	_ =	shalt  }
0x4c: {  	_ =	shalt  }
0x4d: {  	_ =	shalt  }
0x4e: {  	_ =	shalt  }
0x4f: {  	_ =	shalt  }
0x50: {  	_ =	shalt  }
0x51: {  	_ =	shalt  }
0x52: {  	_ =	shalt  }
0x53: {  	_ =	shalt  }
0x54: {  	_ =	shalt  }
0x55: {  	_ =	shalt  }
0x56: {  	_ =	shalt  }
0x57: {  	_ =	shalt  }
0x58: {  	_ =	shalt  }
0x59: {  	_ =	shalt  }
0x5a: {  	_ =	shalt  }
0x5b: {  	_ =	shalt  }
0x5c: {  	_ =	shalt  }
0x5d: {  	_ =	shalt  }
0x5e: {  	_ =	shalt  }
0x5f: {  	_ =	shalt  }
0x60: {  	_ =	shalt  }
0x61: {  	_ =	shalt  }
0x62: {  	_ =	shalt  }
0x63: {  	_ =	shalt  }
0x64: {  	_ =	shalt  }
0x65: {  	_ =	shalt  }
0x66: {  	_ =	shalt  }
0x67: {  	_ =	shalt  }
0x68: {  	_ =	shalt  }
0x69: {  	_ =	shalt  }
0x6a: {  	_ =	shalt  }
0x6b: {  	_ =	shalt  }
0x6c: {  	_ =	shalt  }
0x6d: {  	_ =	shalt  }
0x6e: {  	_ =	shalt  }
0x6f: {  	_ =	shalt  }
0x70: {  	_ =	shalt  }
0x71: {  	_ =	shalt  }
0x72: {  	_ =	shalt  }
0x73: {  	_ =	shalt  }
0x74: {  	_ =	shalt  }
0x75: {  	_ =	shalt  }
0x76: {  	_ =	shalt  }
0x77: {  	_ =	shalt  }
0x78: {  	_ =	shalt  }
0x79: {  	_ =	shalt  }
0x7a: {  	_ =	shalt  }
0x7b: {  	_ =	shalt  }
0x7c: {  	_ =	shalt  }
0x7d: {  	_ =	shalt  }
0x7e: {  	_ =	shalt  }
0x7f: {  	_ =	shalt  }
0x80: {  	_ =	shalt  }
0x81: {  	_ =	shalt  }
0x82: {  	_ =	shalt  }
0x83: {  	_ =	shalt  }
0x84: {  	_ =	shalt  }
0x85: {  	_ =	shalt  }
0x86: {  	_ =	shalt  }
0x87: {  	_ =	shalt  }
.Lfunc_end0:
.L_simem_size_0:
called_computation_lowered:
.L_overlay_start_0:
0x88: {  	s2 =	sld [smem:$0x3FD9]  }
0x89: {  	s3 =	sld [smem:$0x3FFE];
	_ =	sdelay $0x1  }
0x8a: {  	s1 =	srdreg.scid  }
0x8b: {  	s0 =	sand.u32 $0x1, s1  }
0x8c: {  	s16 =	sshll.u32 s0, $0xA;
	s2 =	sadd.s32 s3, s2  }
0x8d: {  	s2 =	sadd.s32 s2, s16  }
0x8e: {  	[smem:$0x3FC2] =	sst s2  }
0x8f: {  	_ = 	snop  }
0x90: {  	(tm) =	ssettm $0x1  }
0x91: {  	s17 =	sld [smem:$0x3FFB];
	_ =	sdelay $0x3  }
0x92: {  	_ =	strace s17  }
0x93: {  	s2 =	sld [smem:$0x3FFC];
	_ =	sdelay $0x3  }
0x94: {  	_ =	strace s2  }
0x95: {  	s2 =	sld [smem:$0x3FFD];
	_ =	sdelay $0x3  }
0x96: {  	_ =	strace s2  }
0x97: {  	_ =	strace $0x8FFFFFFF  }
0x98: {  	s18 =	sld [smem:$0x3FDB];
	_ =	sdelay $0x1  }
0x99: {  	s19 =	simm.s32 $_scs_section_size  }
0x9a: {  	s4 =	simm.s32 $_size__tile_overlayer_lowered;
	s5 =	simm.s32 $_tile_overlayer_lowered  }
0x9b: {  	s22 =	simm.s32 $0x1BFF;
	s21 =	sshll.u32 s5, $0x1;
	s2 =	sadd.s32 s19, s18  }
0x9c: {  	s6 =	simm.s32 $0x0;
	s20 =	sshll.u32 s4, $0x1;
	s4 =	sadd.s32 s21, s2  }
0x9d: {  	[timem:s6], [sflag:s22] =	dma.local [hbm:s4], s20  }
0x9e: {  	_ =	swait.ge [sflag:s22], s20  }
0x9f: {  	s3 =	ssub.s32 $0x0, s20;
	[sflag:s22] =	ssyncset.done $0x0  }
0xa0: {  	[sflag:s22] =	ssyncadd.s32 s3;
	_ =	sdelay $0x1  }
0xa1: {  	s23 =	simm.s32 $0x1B8B  }
0xa2: {  	_ =	swait.ge [sflag:s23], $0x1  }
0xa3: {  	[sflag:s23] =	ssyncset.done $0x0  }
0xa4: {  	s25 =	simm.s32 $0x1B8E;
	s24 =	sld [smem:$0x3FFE];
	[sflag:s23] =	ssyncadd.s32 $0xFFFFFFFF  }
0xa5: {  	s26 =	simm.s32 $execute0_lowered;
	[smem:$0x3FD2] =	sst s25  }
0xa6: {  	s4 =	sshll.u32 s26, $0x1;
	_ =	strace $0x80000046;
	[dreg:$0x1] =	wrdreg $0xFFFFFFFF  }
0xa7: {  	s28 =	simm.s32 $_size_execute0_lowered;
	s2 =	sadd.s32 s2, s4;
	[dreg:$0x0] =	wrdreg $0x0  }
0xa8: {  	s4 =	sshll.u32 s28, $0x1;
	[dreg:$0x2] =	wrdreg s2  }
0xa9: {  	[dreg:$0x3] =	wrdreg s4  }
0xaa: {  	[dreg:$0x4] =	wrdreg $0xC0  }
0xab: {  	_ =	task [dreg:s6], $0x5FFFF  }
0xac: {  	[dreg:$0x1] =	wrdreg $0xFFFFFFFF  }
0xad: {  	[dreg:$0x0] =	wrdreg $0x60  }
0xae: {  	[dreg:$0x2] =	wrdreg s24  }
0xaf: {  	[dreg:$0x3] =	wrdreg $0x2A800  }
0xb0: {  	[dreg:$0x4] =	wrdreg $0x9  }
0xb1: {  	_ =	task.clear_ibuf [dreg:s6], $0x5FFFF;
	_ =	strace $0x90000046  }
0xb2: {  	s29 =	simm.s32 $0x9;
	_ =	strace $0x80000048  }
0xb3: {  	_ =	swait.ge [sflag:s29], $0x1  }
0xb4: {  	[sflag:s29] =	ssyncadd.s32 $0xFFFFFFFF  }
0xb5: {  	_ =	strace $0x90000048  }
0xb6: {  	_ =	sfence  }
0xb7: {  	s30 =	sld [smem:$0x0];
	_ =	sdelay $0x2  }
0xb8: {  	s31 =	sshll.u32 s1, $0xD;
	s1 =	sshrl.u32 s1, $0x2  }
0xb9: {  	s3 =	sand.u32 $0x4000, s31;
	s1 =	sadd.s32 s1, s30  }
0xba: {  	s0 =	sor.u32 s3, s0;
	s1 =	sshll.u32 s1, $0x11  }
0xbb: {  	s0 =	sor.u32 s1, s0  }
0xbc: {  	s0 =	sadd.s32 $0x8F2B, s0  }
0xbd: {  	[sflag:s0] =	ssyncadd.remote.s32 $0x1  }
0xbe: {  	_ =	sfence.sel $0xFFFF  }
0xbf: {  	[dreg:$0x0] =	wrdreg $0xFFFFFFFF;
	(pc) =	sbr.abs _section_cstart, $3  }
0xc0: {  	[dreg:$0x1] =	wrdreg $0xFFFFFFFF  }
0xc1: {  	_ =	task.clear_ibuf [dreg:s6], $0x2FFFF;
	_ =	strace $0x9FFFFFFF  }
0xc2: {  	(tm) =	ssettm $0x7FFFFFFF  }
0xc3: {  	_ =	shalt  }
tec
execute0_lowered:
.L_overlay_start_1:
0x0: {  	(tag) =	ssettag $0x1  }
0x1: {  	s1 =	srdreg.scid;
	s4 =	rddreg [dreg:$0x0]  }
0x2: {  	s0 =	stileid.u32;
	s2 =	rddreg [dreg:$0x1];
	s3 =	simm.s32 $0x0  }
0x3: {  	s10 =	simm.s32 $0x1;
	s11 =	simm.s32 $0x50;
	s12 =	simm.s32 $0x2780  }
0x4: {  	s13 =	simm.s32 $0x2;
	s14 =	simm.s32 $0x0;
	s5 =	sand.u32 $0x1, s1  }
0x5: {  	s6 =	smul.u32 $0x280, s0;
	s7 =	sshll.u32 s0, $0x1;
	s1 =	rddreg [dreg:$0x2]  }
0x6: {  	s8 =	smul.u32 $0x2800, s5;
	s7 =	sor.u32 s5, s7;
	s5 =	ssub.s32 $0x2, s5  }
0x7: {  	[smem:$0x7FF] =	sst s3;
	s7 =	smul.u32 $0x4E2, s7;
	s31 =	sshrl.u32 s5, $0x1  }
0x8: {  	_ =	strace $0x80000047;
	s8 =	sadd.s32 s6, s8;
	s9 =	ssub.s32 s5, s31  }
0x9: {  	s5 =	sadd.s32 s6, s2;
	s8 =	sshrl.u32 s8, $0x3;
	s7 =	sadd.s32 s7, s4  }
0xa: {  	s8 =	sadd.s32 s8, s4;
	s4 =	sadd.s32 $0x1600, s7;
	s7 =	smax.u32 s9, $0x1  }
0xb: {  	v0 =	vimm.f32 $1.000000000e+00;
	v1 =	vimm.f32 $0.0e+00;
	s9 =	simm.s32 $0x3;
	s6 =	sadd.s32 $0xB400, s8;
	s8 =	simm.s32 $0x2800  }
.LBB2_1:
0xc: {  	[tilespmem:s3], [sflag:$0x1] =	stream.linear.gather [hbm4b:s4+s3], $0x2710, $0x38;
	[tilespmem:$0x2D00] =	vst v63  }
0xd: {  	[tilespmem:$0x2780] =	vst v0  }
0xe: {  	[tilespmem:$0x2790] =	vst v0  }
0xf: {  	[tilespmem:$0x27A0] =	vst v0  }
0x10: {  	[tilespmem:$0x27B0] =	vst v0  }
0x11: {  	[tilespmem:$0x27C0] =	vst v0  }
0x12: {  	[tilespmem:$0x2800] =	vst v1  }
0x13: {  	[tilespmem:$0x2810] =	vst v1  }
0x14: {  	[tilespmem:$0x2820] =	vst v1  }
0x15: {  	[tilespmem:$0x2830] =	vst v1  }
0x16: {  	[tilespmem:$0x2840] =	vst v1  }
0x17: {  	[tilespmem:$0x2850] =	vst v1  }
0x18: {  	[tilespmem:$0x2860] =	vst v1  }
0x19: {  	[tilespmem:$0x2870] =	vst v1  }
0x1a: {  	[tilespmem:$0x2880] =	vst v1  }
0x1b: {  	[tilespmem:$0x2890] =	vst v1  }
0x1c: {  	[tilespmem:$0x28A0] =	vst v1  }
0x1d: {  	[tilespmem:$0x28B0] =	vst v1  }
0x1e: {  	[tilespmem:$0x28C0] =	vst v1  }
0x1f: {  	[tilespmem:$0x28D0] =	vst v1  }
0x20: {  	[tilespmem:$0x28E0] =	vst v1  }
0x21: {  	[tilespmem:$0x28F0] =	vst v1  }
0x22: {  	[tilespmem:$0x2900] =	vst v1  }
0x23: {  	[tilespmem:$0x2910] =	vst v1  }
0x24: {  	[tilespmem:$0x2920] =	vst v1  }
0x25: {  	[tilespmem:$0x2930] =	vst v1  }
0x26: {  	[tilespmem:$0x2940] =	vst v1  }
0x27: {  	[tilespmem:$0x2950] =	vst v1  }
0x28: {  	[tilespmem:$0x2960] =	vst v1  }
0x29: {  	[tilespmem:$0x2970] =	vst v1  }
0x2a: {  	[tilespmem:$0x2980] =	vst v1  }
0x2b: {  	[tilespmem:$0x2990] =	vst v1  }
0x2c: {  	[tilespmem:$0x29A0] =	vst v1  }
0x2d: {  	[tilespmem:$0x29B0] =	vst v1  }
0x2e: {  	[tilespmem:$0x29C0] =	vst v1  }
0x2f: {  	[tilespmem:$0x29D0] =	vst v1  }
0x30: {  	[tilespmem:$0x29E0] =	vst v1  }
0x31: {  	[tilespmem:$0x29F0] =	vst v1  }
0x32: {  	[tilespmem:$0x2A00] =	vst v1  }
0x33: {  	[tilespmem:$0x2A10] =	vst v1  }
0x34: {  	[tilespmem:$0x2A20] =	vst v1  }
0x35: {  	[tilespmem:$0x2A30] =	vst v1  }
0x36: {  	[tilespmem:$0x2A40] =	vst v1  }
0x37: {  	[tilespmem:$0x2A50] =	vst v1  }
0x38: {  	[tilespmem:$0x2A60] =	vst v1  }
0x39: {  	[tilespmem:$0x2A70] =	vst v1  }
0x3a: {  	[spmem:s5] =	stream.linear.scatter [tilespmem:s8], [sflag:$0x3], $0x280, $0x38;
	[tilespmem:$0x2D00] =	vst v63  }
0x3b: {  	_ =	swait.ge [sflag:s9], $0x280  }
0x3c: {  	[sflag:s9] =	ssyncset.done $0x0  }
0x3d: {  	[sflag:s9] =	ssyncadd.s32 $0xFFFFFD80  }
0x3e: {  	_ =	swait.ge [sflag:s10], $0x2710  }
0x3f: {  	[sflag:s10] =	ssyncset.done $0x0  }
0x40: {  	[sflag:s10] =	ssyncadd.s32 $0xFFFFD8F0  }
0x41: {  	s15 =	simm.s32 $0x0;
	[bflag:$0x0] =	sbarrier.arrive $0xFFFF  }
0x42: {  	[spmem:s2] =	stream.indirect.scatter.add.f32 [tilespmem:s12], [sflag:$0x2], $0x1, s15, s11, $0xb8;
	[tilespmem:$0x2D00] =	vst v63  }
0x43: {  	s28 =	simm.s32 $0x50  }
0x44: {  	[spmem:s2] =	stream.indirect.scatter.add.f32 [tilespmem:s12], [sflag:$0x2], $0x1, s28, s11, $0xb8;
	[tilespmem:$0x2D00] =	vst v63  }
0x45: {  	s29 =	simm.s32 $0xA0  }
0x46: {  	[spmem:s2] =	stream.indirect.scatter.add.f32 [tilespmem:s12], [sflag:$0x2], $0x1, s29, s11, $0xb8;
	[tilespmem:$0x2D00] =	vst v63  }
0x47: {  	s30 =	simm.s32 $0xF0  }
0x48: {  	[spmem:s2] =	stream.indirect.scatter.add.f32 [tilespmem:s12], [sflag:$0x2], $0x1, s30, s11, $0xb8;
	[tilespmem:$0x2D00] =	vst v63  }
0x49: {  	s31 =	simm.s32 $0x140  }
0x4a: {  	[spmem:s2] =	stream.indirect.scatter.add.f32 [tilespmem:s12], [sflag:$0x2], $0x1, s31, s11, $0xb8;
	[tilespmem:$0x2D00] =	vst v63  }
0x4b: {  	_ =	swait.ge [sflag:s13], $0x50  }
0x4c: {  	[sflag:s13] =	ssyncset.done $0x0  }
0x4d: {  	[sflag:s13] =	ssyncadd.s32 $0xFFFFFFB0  }
0x4e: {  	_ =	swait.ge [sflag:s13], $0x50  }
0x4f: {  	[sflag:s13] =	ssyncset.done $0x0  }
0x50: {  	[sflag:s13] =	ssyncadd.s32 $0xFFFFFFB0  }
0x51: {  	_ =	swait.ge [sflag:s13], $0x50  }
0x52: {  	[sflag:s13] =	ssyncset.done $0x0  }
0x53: {  	[sflag:s13] =	ssyncadd.s32 $0xFFFFFFB0  }
0x54: {  	_ =	swait.ge [sflag:s13], $0x50  }
0x55: {  	[sflag:s13] =	ssyncset.done $0x0  }
0x56: {  	[sflag:s13] =	ssyncadd.s32 $0xFFFFFFB0  }
0x57: {  	_ =	swait.ge [sflag:s13], $0x50  }
0x58: {  	s16 =	simm.s32 $0xC80;
	s15 =	simm.s32 $0x640;
	[sflag:s13] =	ssyncset.done $0x0  }
.LBB2_2:
0x59: {  	s17 =	sshra.s32 s15, $0x2  }
0x5a: {  	[sflag:s13] =	ssyncadd.s32 $0xFFFFFFB0;
	s15 =	smov.u32 s16;
	s18 =	sadd.s32 $0x640, s16  }
0x5b: {  	[spmem:s2] =	stream.indirect.scatter.add.f32 [tilespmem:s12], [sflag:$0x2], $0x1, s17, s11, $0xb8;
	[tilespmem:$0x2D00] =	vst v63  }
0x5c: {  	p0 =	sne.s32 s16, $0x9600;
	s16 =	sadd.s32 $0x50, s17  }
0x5d: {  	[spmem:s2] =	stream.indirect.scatter.add.f32 [tilespmem:s12], [sflag:$0x2], $0x1, s16, s11, $0xb8;
	[tilespmem:$0x2D00] =	vst v63  }
0x5e: {  	s16 =	sadd.s32 $0xA0, s17  }
0x5f: {  	[spmem:s2] =	stream.indirect.scatter.add.f32 [tilespmem:s12], [sflag:$0x2], $0x1, s16, s11, $0xb8;
	[tilespmem:$0x2D00] =	vst v63  }
0x60: {  	s16 =	sadd.s32 $0xF0, s17  }
0x61: {  	[spmem:s2] =	stream.indirect.scatter.add.f32 [tilespmem:s12], [sflag:$0x2], $0x1, s16, s11, $0xb8;
	[tilespmem:$0x2D00] =	vst v63  }
0x62: {  	s16 =	sadd.s32 $0x140, s17  }
0x63: {  	[spmem:s2] =	stream.indirect.scatter.add.f32 [tilespmem:s12], [sflag:$0x2], $0x1, s16, s11, $0xb8;
	[tilespmem:$0x2D00] =	vst v63  }
0x64: {  	_ =	swait.ge [sflag:s13], $0x50  }
0x65: {  	[sflag:s13] =	ssyncset.done $0x0  }
0x66: {  	[sflag:s13] =	ssyncadd.s32 $0xFFFFFFB0  }
0x67: {  	_ =	swait.ge [sflag:s13], $0x50  }
0x68: {  	[sflag:s13] =	ssyncset.done $0x0  }
0x69: {  	[sflag:s13] =	ssyncadd.s32 $0xFFFFFFB0  }
0x6a: {  	_ =	swait.ge [sflag:s13], $0x50  }
0x6b: {  	[sflag:s13] =	ssyncset.done $0x0  }
0x6c: {  	[sflag:s13] =	ssyncadd.s32 $0xFFFFFFB0  }
.Ltmp0:
0x6d: {  	_ =	swait.ge [sflag:s13], $0x50;
	(pc) =	sbr.rel @p0 .LBB2_2-.Ltmp0, $4  }
0x6e: {  	[sflag:s13] =	ssyncset.done $0x0  }
0x6f: {  	[sflag:s13] =	ssyncadd.s32 $0xFFFFFFB0  }
0x70: {  	_ =	swait.ge [sflag:s13], $0x50  }
0x71: {  	s16 =	smov.u32 s18;
	[sflag:s13] =	ssyncset.done $0x0  }
0x72: {  	s15 =	sshra.s32 s15, $0x2;
	[sflag:s13] =	ssyncadd.s32 $0xFFFFFFB0  }
0x73: {  	[spmem:s2] =	stream.indirect.scatter.add.f32 [tilespmem:s12], [sflag:$0x2], $0x1, s15, s11, $0xb8;
	[tilespmem:$0x2D00] =	vst v63  }
0x74: {  	s16 =	sadd.s32 $0x50, s15  }
0x75: {  	[spmem:s2] =	stream.indirect.scatter.add.f32 [tilespmem:s12], [sflag:$0x2], $0x1, s16, s11, $0xb8;
	[tilespmem:$0x2D00] =	vst v63  }
0x76: {  	s30 =	sadd.s32 $0xA0, s15  }
0x77: {  	[spmem:s2] =	stream.indirect.scatter.add.f32 [tilespmem:s12], [sflag:$0x2], $0x1, s30, s11, $0xb8;
	[tilespmem:$0x2D00] =	vst v63  }
0x78: {  	s31 =	sadd.s32 $0xF0, s15  }
0x79: {  	[spmem:s2] =	stream.indirect.scatter.add.f32 [tilespmem:s12], [sflag:$0x2], $0x1, s31, s11, $0xb8;
	[tilespmem:$0x2D00] =	vst v63  }
0x7a: {  	s15 =	sadd.s32 $0x140, s15  }
0x7b: {  	[spmem:s2] =	stream.indirect.scatter.add.f32 [tilespmem:s12], [sflag:$0x2], $0x1, s15, s11, $0xb8;
	[tilespmem:$0x2D00] =	vst v63  }
0x7c: {  	_ =	swait.ge [sflag:s13], $0x50  }
0x7d: {  	[sflag:s13] =	ssyncset.done $0x0  }
0x7e: {  	[sflag:s13] =	ssyncadd.s32 $0xFFFFFFB0  }
0x7f: {  	_ =	swait.ge [sflag:s13], $0x50  }
0x80: {  	[sflag:s13] =	ssyncset.done $0x0  }
0x81: {  	[sflag:s13] =	ssyncadd.s32 $0xFFFFFFB0  }
0x82: {  	_ =	swait.ge [sflag:s13], $0x50  }
0x83: {  	[sflag:s13] =	ssyncset.done $0x0  }
0x84: {  	[sflag:s13] =	ssyncadd.s32 $0xFFFFFFB0  }
0x85: {  	_ =	swait.ge [sflag:s13], $0x50  }
0x86: {  	[sflag:s13] =	ssyncset.done $0x0  }
0x87: {  	[sflag:s13] =	ssyncadd.s32 $0xFFFFFFB0  }
0x88: {  	_ =	swait.ge [sflag:s13], $0x50  }
0x89: {  	[sflag:s13] =	ssyncset.done $0x0  }
0x8a: {  	[sflag:s13] =	ssyncadd.s32 $0xFFFFFFB0  }
0x8b: {  	[bflag:$0x0] =	sbarrier.arrive $0xFFFF  }
0x8c: {  	[tilespmem:s8], [sflag:$0x3] =	stream.linear.gather [spmem:s5], $0x280, $0x38;
	[tilespmem:$0x2D00] =	vst v63  }
0x8d: {  	s14 =	sadd.s32 $0x1, s14;
	_ =	swait.ge [sflag:s9], $0x280  }
0x8e: {  	p0 =	sne.s32 s14, s7;
	[sflag:s9] =	ssyncset.done $0x0  }
.Ltmp1:
0x8f: {  	[sflag:s9] =	ssyncadd.s32 $0xFFFFFD80;
	(pc) =	sbr.rel @p0 .LBB2_1-.Ltmp1, $4  }
0x90: {  	[hbm4b:s6+s3] =	stream.linear.scatter [tilespmem:s8], [sflag:$0x3], $0x280, $0x38;
	[tilespmem:$0x2D00] =	vst v63  }
0x91: {  	_ =	swait.ge [sflag:s9], $0x280  }
0x92: {  	[sflag:s9] =	ssyncset.done $0x0  }
0x93: {  	[sflag:s9] =	ssyncadd.s32 $0xFFFFFD80  }
0x94: {  	_ =	sfence.sel $0x180000  }
0x95: {  	[bflag:$0x0] =	sbarrier.arrive $0xFFFF  }
0x96: {  	p0 =	sne.s32 s0, $0x0;
	_ =	strace $0x90000047  }
0x97: {  	s0 =	sadd.s32 @!p0 $0x100000, s1;
	[bflag:$0x2] =	sbarrier.arrive $0xFFFF  }
0x98: {  	[sflag:s0] =	ssyncadd.tile.s32 @!p0 $0x1;
	_ =	shalt  }
.Lfunc_end2:
_tile_overlayer_lowered:
.L_overlay_start_2:
0x99: {  	(tag) =	ssettag $0x2  }
0x9a: {  	s0 =	rddreg [dreg:$0x0];
	s2 =	stileid.u32  }
0x9b: {  	s1 =	rddreg [dreg:$0x1];
	p0 =	sne.s32 s2, $0x0  }
0x9c: {  	s3 =	rddreg [dreg:$0x2];
	[bflag:$0x3] =	sbarrier.arrive $0xFFFF;
	s2 =	simm.s32 @!p0 $0x1C03  }
0x9d: {  	[timem:s3], [sflag:s2] =	dma.local @!p0 [hbm:s0], s1  }
0x9e: {  	s0 =	simm.s32 @!p0 $0x3  }
0x9f: {  	_ =	swait.ge @!p0 [sflag:s0], s1  }
0xa0: {  	s1 =	ssub.s32 @!p0 $0x0, s1;
	[sflag:s0] =	ssyncset.done @!p0 $0x0  }
0xa1: {  	[sflag:s0] =	ssyncadd.s32 @!p0 s1  }
0xa2: {  	[bflag:$0x3] =	sbarrier.arrive $0xFFFF  }
0xa3: {  	_ =	shalt  }

// kernel: kernel.9.cloned.1.call-start
scs
__scs_entry_jumppad:
0x0: {  	(pc) =	sbr.rel $0x88, $3  }
0x1: {  	(tag) =	ssettag $0x0;
	lr =	simm.s32 $0x1  }
0x2: {  	[smem:$0x3F9B] =	sst lr;
	_ =	strace $0xD0000000  }
0x3: {  	_ = 	snop  }
0x4: {  	_ = 	snop  }
0x5: {  	_ = 	snop  }
0x6: {  	_ = 	snop  }
0x7: {  	_ = 	snop  }
__scs_overlays_trampoline_lowered:
0x8: {  	[smem:$0x3FAA] =	sst s0  }
0x9: {  	[smem:$0x3FAB] =	sst s1  }
0xa: {  	[smem:$0x3FAC] =	sst s2  }
0xb: {  	[smem:$0x3FAD] =	sst s3  }
0xc: {  	[smem:$0x3FAE] =	sst s4  }
0xd: {  	[smem:$0x3FAF] =	sst s5  }
0xe: {  	[smem:$0x3FB0] =	sst s6  }
0xf: {  	[smem:$0x3FB1] =	sst s7  }
0x10: {  	[smem:$0x3FB2] =	sst s8  }
0x11: {  	[smem:$0x3FB3] =	sst s9;
	s0 =	simm.s32 @!p0 $0x0  }
0x12: {  	s1 =	sld [smem:$0x3F99];
	s0 =	simm.s32 @p0 $0x1  }
0x13: {  	[smem:$0x3FB4] =	sst s0;
	s0 =	simm.s32 @!p1 $0x0  }
0x14: {  	s2 =	sld [smem:$0x3F98];
	s0 =	simm.s32 @p1 $0x1  }
0x15: {  	[smem:$0x3FB5] =	sst s0;
	s0 =	simm.s32 @!p2 $0x0  }
0x16: {  	s3 =	sld [smem:$0x3FDB];
	s0 =	simm.s32 @p2 $0x1  }
0x17: {  	s4 =	simm.s32 $0x1BF5;
	[smem:$0x3FB7] =	sst s0  }
0x18: {  	s0 =	sld [smem:$0x3F9A];
	_ =	swait.ge [sflag:s4], $0x0  }
0x19: {  	s7 =	sld [smem:$0x3F9B]  }
0x1a: {  	s8 =	sadd.s32 $0xFFFFE003, lr  }
0x1b: {  	s9 =	sadd.s32 $0xFFFFFEF7, lr;
	s5 =	simm.s32 $0xFFFFFFFF;
	p2 =	slt.u32 s8, $0xFFFFF086  }
0x1c: {  	p1 =	slt.u32 s9, $0xF7A;
	s5 =	simm.s32 @!p2 $0x0  }
0x1d: {  	s5 =	simm.s32 @p1 $0x1;
	p0 =	seq.s32 s7, s2  }
0x1e: {  	s7 =	smul.u32 @!p0 $0xF7A, s2;
	p2 =	seq.s32 @!p0 s5, $0x0  }
0x1f: {  	s9 =	smul.u32 $0xF7A, s1;
	s8 =	simm.s32 @!p0 $0x1BF5;
	p2 =	por !p2, p0  }
0x20: {  	[sflag:s8] =	ssyncset.s32 @!p0 $0xFFFFF086;
	s6 =	sadd.s32 @!p0 s3, s7;
	s7 =	simm.s32 @!p0 $0x108  }
0x21: {  	s3 =	sadd.s32 s3, s9;
	s6 =	sadd.s32 @!p0 $0x88, s6;
	s7 =	simm.s32 @p2 $0x1082  }
0x22: {  	[simem:s7], [sflag:s8] =	dma.local @!p0 [hbm:s6], $0xF7A  }
0x23: {  	s9 =	sor.u32 $0xD0000000, s2;
	s6 =	simm.s32 $0x108;
	_ =	swait.ge @!p0 [sflag:s8], $0x0  }
0x24: {  	s3 =	sadd.s32 $0x88, s3;
	s6 =	simm.s32 @!p1 $0x1082;
	[sflag:s4] =	ssyncset.s32 $0xFFFFF086  }
0x25: {  	[simem:s6], [sflag:s4] =	dma.local [hbm:s3], $0xF7A  }
0x26: {  	[smem:$0x3F9B] =	sst s1;
	(tag) =	ssettag s2;
	_ =	strace s9  }
0x27: {  	s1 =	sld [smem:$0x3FAB]  }
0x28: {  	s2 =	sld [smem:$0x3FAC]  }
0x29: {  	s4 =	sld [smem:$0x3FAE]  }
0x2a: {  	p0 =	seq.s32 s5, $0x0;
	s5 =	sld [smem:$0x3FAF]  }
0x2b: {  	s6 =	sld [smem:$0x3FB0]  }
0x2c: {  	s7 =	sld [smem:$0x3FB1]  }
0x2d: {  	s3 =	simm.s32 $0x108;
	s8 =	sld [smem:$0x3FB2]  }
0x2e: {  	s3 =	simm.s32 @!p0 $0x1082;
	s9 =	sld [smem:$0x3FB3]  }
0x2f: {  	lr =	sadd.s32 s0, s3;
	s0 =	sld [smem:$0x3FAA]  }
0x30: {  	s3 =	sld [smem:$0x3FAD]  }
0x31: {  	[smem:$0x3FB6] =	sst s10  }
0x32: {  	s10 =	sld [smem:$0x3FB4];
	_ =	sdelay $0x3  }
0x33: {  	p0 =	seq.s32 s10, $0x1;
	s10 =	sld [smem:$0x3FB6];
	_ =	sdelay $0x3  }
0x34: {  	[smem:$0x3FB6] =	sst s10  }
0x35: {  	s10 =	sld [smem:$0x3FB5];
	_ =	sdelay $0x3  }
0x36: {  	p1 =	seq.s32 s10, $0x1;
	s10 =	sld [smem:$0x3FB6];
	_ =	sdelay $0x3  }
0x37: {  	[smem:$0x3FB6] =	sst s10  }
0x38: {  	s10 =	sld [smem:$0x3FB7]  }
0x39: {  	_ = 	snop;
	(pc) =	sbr.ind lr, $3  }
0x3a: {  	_ = 	snop  }
0x3b: {  	_ = 	snop  }
0x3c: {  	p2 =	seq.s32 s10, $0x1;
	s10 =	sld [smem:$0x3FB6]  }
0x3d: {  	_ =	shalt  }
0x3e: {  	_ =	shalt  }
0x3f: {  	_ =	shalt  }
0x40: {  	_ =	shalt  }
0x41: {  	_ =	shalt  }
0x42: {  	_ =	shalt  }
0x43: {  	_ =	shalt  }
0x44: {  	_ =	shalt  }
0x45: {  	_ =	shalt  }
0x46: {  	_ =	shalt  }
0x47: {  	_ =	shalt  }
0x48: {  	_ =	shalt  }
0x49: {  	_ =	shalt  }
0x4a: {  	_ =	shalt  }
0x4b: {  	_ =	shalt  }
0x4c: {  	_ =	shalt  }
0x4d: {  	_ =	shalt  }
0x4e: {  	_ =	shalt  }
0x4f: {  	_ =	shalt  }
0x50: {  	_ =	shalt  }
0x51: {  	_ =	shalt  }
0x52: {  	_ =	shalt  }
0x53: {  	_ =	shalt  }
0x54: {  	_ =	shalt  }
0x55: {  	_ =	shalt  }
0x56: {  	_ =	shalt  }
0x57: {  	_ =	shalt  }
0x58: {  	_ =	shalt  }
0x59: {  	_ =	shalt  }
0x5a: {  	_ =	shalt  }
0x5b: {  	_ =	shalt  }
0x5c: {  	_ =	shalt  }
0x5d: {  	_ =	shalt  }
0x5e: {  	_ =	shalt  }
0x5f: {  	_ =	shalt  }
0x60: {  	_ =	shalt  }
0x61: {  	_ =	shalt  }
0x62: {  	_ =	shalt  }
0x63: {  	_ =	shalt  }
0x64: {  	_ =	shalt  }
0x65: {  	_ =	shalt  }
0x66: {  	_ =	shalt  }
0x67: {  	_ =	shalt  }
0x68: {  	_ =	shalt  }
0x69: {  	_ =	shalt  }
0x6a: {  	_ =	shalt  }
0x6b: {  	_ =	shalt  }
0x6c: {  	_ =	shalt  }
0x6d: {  	_ =	shalt  }
0x6e: {  	_ =	shalt  }
0x6f: {  	_ =	shalt  }
0x70: {  	_ =	shalt  }
0x71: {  	_ =	shalt  }
0x72: {  	_ =	shalt  }
0x73: {  	_ =	shalt  }
0x74: {  	_ =	shalt  }
0x75: {  	_ =	shalt  }
0x76: {  	_ =	shalt  }
0x77: {  	_ =	shalt  }
0x78: {  	_ =	shalt  }
0x79: {  	_ =	shalt  }
0x7a: {  	_ =	shalt  }
0x7b: {  	_ =	shalt  }
0x7c: {  	_ =	shalt  }
0x7d: {  	_ =	shalt  }
0x7e: {  	_ =	shalt  }
0x7f: {  	_ =	shalt  }
0x80: {  	_ =	shalt  }
0x81: {  	_ =	shalt  }
0x82: {  	_ =	shalt  }
0x83: {  	_ =	shalt  }
0x84: {  	_ =	shalt  }
0x85: {  	_ =	shalt  }
0x86: {  	_ =	shalt  }
0x87: {  	_ =	shalt  }
.Lfunc_end0:
.L_simem_size_0:
called_computation.1_lowered:
.L_overlay_start_0:
0x88: {  	s2 =	sld [smem:$0x3FD9]  }
0x89: {  	s3 =	sld [smem:$0x3FFE];
	_ =	sdelay $0x1  }
0x8a: {  	s1 =	srdreg.scid  }
0x8b: {  	s0 =	sand.u32 $0x1, s1  }
0x8c: {  	s17 =	sshll.u32 s0, $0xA;
	s2 =	sadd.s32 s3, s2  }
0x8d: {  	s2 =	sadd.s32 s2, s17  }
0x8e: {  	[smem:$0x3FC2] =	sst s2  }
0x8f: {  	_ = 	snop  }
0x90: {  	s2 =	sld [smem:$0x3FD0];
	(tm) =	ssettm $0x1  }
0x91: {  	s18 =	sld [smem:$0x3FFB];
	_ =	sdelay $0x3  }
0x92: {  	_ =	strace s18  }
0x93: {  	s3 =	sld [smem:$0x3FFC];
	_ =	sdelay $0x3  }
0x94: {  	_ =	strace s3  }
0x95: {  	s3 =	sld [smem:$0x3FFD];
	_ =	sdelay $0x3  }
0x96: {  	_ =	strace s3  }
0x97: {  	_ =	strace $0x8FFFFFFF  }
0x98: {  	s19 =	sld [smem:$0x3FDB];
	_ =	sdelay $0x1  }
0x99: {  	s4 =	simm.s32 $_scs_section_size  }
0x9a: {  	s5 =	simm.s32 $_size__tile_overlayer_lowered;
	s6 =	simm.s32 $_tile_overlayer_lowered  }
0x9b: {  	s22 =	simm.s32 $0x1BFF;
	s21 =	sshll.u32 s6, $0x1;
	s3 =	sadd.s32 s4, s19  }
0x9c: {  	s7 =	simm.s32 $0x0;
	s20 =	sshll.u32 s5, $0x1;
	s5 =	sadd.s32 s21, s3  }
0x9d: {  	[timem:s7], [sflag:s22] =	dma.local [hbm:s5], s20  }
0x9e: {  	_ =	swait.ge [sflag:s22], s20  }
0x9f: {  	s4 =	ssub.s32 $0x0, s20;
	[sflag:s22] =	ssyncset.done $0x0  }
0xa0: {  	[sflag:s22] =	ssyncadd.s32 s4;
	_ =	sdelay $0x1  }
0xa1: {  	s23 =	simm.s32 $0x1B8B  }
0xa2: {  	_ =	swait.ge [sflag:s23], $0x1  }
0xa3: {  	[sflag:s23] =	ssyncset.done $0x0  }
0xa4: {  	s25 =	simm.s32 $0x1B8E;
	s24 =	sld [smem:$0x3FFE];
	[sflag:s23] =	ssyncadd.s32 $0xFFFFFFFF  }
0xa5: {  	s26 =	simm.s32 $execute0_lowered;
	[smem:$0x3FD2] =	sst s25  }
0xa6: {  	s5 =	sshll.u32 s26, $0x1;
	_ =	strace $0x80000049;
	[dreg:$0x1] =	wrdreg $0xFFFFFFFF  }
0xa7: {  	s28 =	simm.s32 $_size_execute0_lowered;
	s3 =	sadd.s32 s3, s5;
	[dreg:$0x0] =	wrdreg $0x0  }
0xa8: {  	s5 =	sshll.u32 s28, $0x1;
	[dreg:$0x2] =	wrdreg s3  }
0xa9: {  	[dreg:$0x3] =	wrdreg s5  }
0xaa: {  	[dreg:$0x4] =	wrdreg $0xC0  }
0xab: {  	_ =	task [dreg:s7], $0x5FFFF  }
0xac: {  	[dreg:$0x1] =	wrdreg $0xFFFFFFFF  }
0xad: {  	[dreg:$0x0] =	wrdreg $0x60  }
0xae: {  	[dreg:$0x2] =	wrdreg s24  }
0xaf: {  	[dreg:$0x3] =	wrdreg s2  }
0xb0: {  	[dreg:$0x4] =	wrdreg $0xA1000  }
0xb1: {  	[dreg:$0x5] =	wrdreg $0x9  }
0xb2: {  	_ =	task.clear_ibuf [dreg:s7], $0x6FFFF;
	_ =	strace $0x90000049  }
0xb3: {  	s29 =	simm.s32 $0x9;
	_ =	strace $0x8000004B  }
0xb4: {  	_ =	swait.ge [sflag:s29], $0x1  }
0xb5: {  	[sflag:s29] =	ssyncadd.s32 $0xFFFFFFFF  }
0xb6: {  	_ =	strace $0x9000004B  }
0xb7: {  	_ =	sfence  }
0xb8: {  	s30 =	sld [smem:$0x0];
	_ =	sdelay $0x2  }
0xb9: {  	s31 =	sshll.u32 s1, $0xD;
	s1 =	sshrl.u32 s1, $0x2  }
0xba: {  	s3 =	sand.u32 $0x4000, s31;
	s1 =	sadd.s32 s1, s30  }
0xbb: {  	s0 =	sor.u32 s3, s0;
	s1 =	sshll.u32 s1, $0x11  }
0xbc: {  	s0 =	sor.u32 s1, s0  }
0xbd: {  	s0 =	sadd.s32 $0x8F2B, s0  }
0xbe: {  	[sflag:s0] =	ssyncadd.remote.s32 $0x1  }
0xbf: {  	_ =	sfence.sel $0xFFFF  }
0xc0: {  	[dreg:$0x0] =	wrdreg $0xFFFFFFFF;
	(pc) =	sbr.abs _section_cstart, $3  }
0xc1: {  	[dreg:$0x1] =	wrdreg $0xFFFFFFFF  }
0xc2: {  	_ =	task.clear_ibuf [dreg:s7], $0x2FFFF;
	_ =	strace $0x9FFFFFFF  }
0xc3: {  	(tm) =	ssettm $0x7FFFFFFF  }
tec
execute0_lowered:
.L_overlay_start_1:
0x0: {  	(tag) =	ssettag $0x1  }
0x1: {  	s0 =	rddreg [dreg:$0x0]  }
0x2: {  	s1 =	rddreg [dreg:$0x1]  }
0x3: {  	s2 =	rddreg [dreg:$0x2]  }
0x4: {  	s3 =	srdreg.scid;
	s12 =	stileid.u32  }
0x5: {  	s28 =	simm.s32 $0x2900;
	s29 =	simm.s32 $0xB;
	s30 =	simm.s32 $0x1  }
0x6: {  	s31 =	simm.s32 $0x50;
	s6 =	sand.u32 $0x1, s3;
	s5 =	smul.u32 $0x14000, s12  }
0x7: {  	s3 =	simm.s32 $0x0;
	s7 =	sshll.u32 s12, $0x1;
	s11 =	smul.u32 $0x50000, s12  }
0x8: {  	s8 =	sadd.s32 $0x1600, s0;
	s13 =	smul.u32 $0x4E20, s12;
	s9 =	ssub.s32 $0x2, s6  }
0x9: {  	s12 =	simm.s32 $0x7;
	s4 =	smul.u32 $0x140000, s6;
	s10 =	sshrl.u32 s9, $0x1  }
0xa: {  	[smem:$0x7FF] =	sst s3;
	s11 =	sshrl.u32 s11, $0x2;
	s9 =	ssub.s32 s9, s10  }
0xb: {  	s7 =	sor.u32 s6, s7;
	s11 =	sadd.s32 s11, s2;
	s14 =	smax.u32 s9, $0x1  }
0xc: {  	_ =	strace $0x8000004A;
	s15 =	sadd.s32 $0x2800, s11;
	[dreg:$0x9] =	wrdreg s14  }
0xd: {  	s7 =	smul.u32 $0x2710, s7;
	s17 =	sadd.s32 $0x5000, s11;
	[dreg:$0xa] =	wrdreg s15  }
0xe: {  	s5 =	sadd.s32 s5, s4;
	s18 =	sadd.s32 $0x7800, s11;
	[dreg:$0xb] =	wrdreg s17  }
0xf: {  	s4 =	sadd.s32 $0xB400, s0;
	s19 =	sadd.s32 $0xA000, s11;
	[dreg:$0xc] =	wrdreg s18  }
0x10: {  	s5 =	sshrl.u32 s5, $0x3;
	s20 =	sadd.s32 $0xC800, s11;
	[dreg:$0xd] =	wrdreg s19  }
0x11: {  	s7 =	sshrl.u32 s7, $0x3;
	s21 =	sadd.s32 $0xF000, s11;
	[dreg:$0xe] =	wrdreg s20  }
0x12: {  	s22 =	sadd.s32 $0x11800, s11;
	s0 =	sadd.s32 s5, s0;
	[dreg:$0xf] =	wrdreg s21  }
0x13: {  	s5 =	sadd.s32 s8, s7;
	s1 =	sadd.s32 s1, s7;
	[dreg:$0x10] =	wrdreg s22  }
0x14: {  	s16 =	smul.u32 $0x2710, s6;
	[dreg:$0x4] =	wrdreg s1;
	s26 =	sadd.s32 $0xA, s5  }
0x15: {  	s6 =	simm.s32 $0x5;
	s7 =	sadd.s32 $0x14, s5;
	[dreg:$0x5] =	wrdreg s26  }
0x16: {  	s9 =	simm.s32 $0x3;
	s10 =	sadd.s32 $0x4D8, s5;
	[dreg:$0x6] =	wrdreg s7  }
0x17: {  	s14 =	simm.s32 $0x9;
	s0 =	sadd.s32 $0x33400, s0;
	[dreg:$0x7] =	wrdreg s10  }
0x18: {  	s15 =	simm.s32 $0xA;
	s23 =	sadd.s32 $0x1E, s5;
	[dreg:$0x8] =	wrdreg s0  }
0x19: {  	s0 =	sadd.s32 s16, s13;
	[dreg:$0x11] =	wrdreg s23;
	s7 =	simm.s32 $0x2  }
0x1a: {  	s10 =	simm.s32 $0x8;
	s13 =	simm.s32 $0x4;
	s16 =	simm.s32 $0x0  }
0x1b: {  	s24 =	sadd.s32 $0x1E0, s0;
	s25 =	sadd.s32 $0x190, s0;
	s0 =	sadd.s32 $0x140, s0  }
0x1c: {  	s1 =	sshrl.u32 s24, $0x3;
	s26 =	sshrl.u32 s25, $0x3;
	s0 =	sshrl.u32 s0, $0x3  }
0x1d: {  	s24 =	simm.s32 $0x2780;
	s25 =	simm.s32 $0x2800;
	s21 =	sadd.s32 s1, s8  }
0x1e: {  	s22 =	sadd.s32 s26, s8;
	s23 =	sadd.s32 s0, s8;
	s26 =	simm.s32 $0x2880  }
0x1f: {  	v0 =	vimm.f32 $0.0e+00;
	s0 =	simm.s32 $0x5100;
	s1 =	simm.s32 $0x7900;
	s8 =	simm.s32 $0x6  }
.LBB2_1:
0x20: {  	s17 =	rddreg [dreg:$0x4]  }
0x21: {  	[tilespmem:s3], [sflag:$0x1] =	stream.linear.gather [hbm4b:s17+s3], $0x2710, $0x38;
	[tilespmem:$0x1E100] =	vst v63  }
0x22: {  	_ = 	snop  }
0x23: {  	[tilespmem:s24], [sflag:$0x2] =	stream.linear.gather [hbm4b:s5+s3], $0x50, $0x38;
	[tilespmem:$0x1E100] =	vst v63  }
0x24: {  	s19 =	rddreg [dreg:$0x5]  }
0x25: {  	[tilespmem:s25], [sflag:$0x3] =	stream.linear.gather [hbm4b:s19+s3], $0x50, $0x38;
	[tilespmem:$0x1E100] =	vst v63  }
0x26: {  	s20 =	rddreg [dreg:$0x6];
	s18 =	simm.s32 $0x200;
	s17 =	simm.s32 $0x0  }
0x27: {  	[tilespmem:s26], [sflag:$0x4] =	stream.linear.gather [hbm4b:s20+s3], $0x50, $0x38;
	[tilespmem:$0x1E100] =	vst v63  }
.LBB2_2:
0x28: {  	p0 =	sne.s32 s18, $0x9E00;
	[tilespmem:s17+$0x2970] =	vst v0  }
0x29: {  	[tilespmem:s17+$0x2900] =	vst v0  }
0x2a: {  	[tilespmem:s17+$0x2910] =	vst v0  }
.Ltmp0:
0x2b: {  	[tilespmem:s17+$0x2920] =	vst v0;
	(pc) =	sbr.rel @p0 .LBB2_2-.Ltmp0, $4  }
0x2c: {  	[tilespmem:s17+$0x2930] =	vst v0  }
0x2d: {  	[tilespmem:s17+$0x2940] =	vst v0  }
0x2e: {  	[tilespmem:s17+$0x2950] =	vst v0  }
0x2f: {  	[tilespmem:s17+$0x2960] =	vst v0;
	s17 =	sshra.s32 s18, $0x2;
	s18 =	sadd.s32 $0x200, s18  }
0x30: {  	[tilespmem:s17+$0x2970] =	vst v0  }
0x31: {  	[tilespmem:s17+$0x2900] =	vst v0  }
0x32: {  	[tilespmem:s17+$0x2910] =	vst v0  }
0x33: {  	[tilespmem:s17+$0x2920] =	vst v0  }
0x34: {  	[tilespmem:s17+$0x2930] =	vst v0  }
0x35: {  	[tilespmem:s17+$0x2940] =	vst v0  }
0x36: {  	[tilespmem:s17+$0x2950] =	vst v0  }
0x37: {  	[tilespmem:s17+$0x2960] =	vst v0  }
0x38: {  	[spmem:s11] =	stream.linear.scatter [tilespmem:s28], [sflag:$0xB], $0x2800, $0x38;
	[tilespmem:$0x1E100] =	vst v63  }
0x39: {  	_ =	swait.ge [sflag:s29], $0x2800  }
0x3a: {  	[sflag:s29] =	ssyncset.done $0x0  }
0x3b: {  	s19 =	rddreg [dreg:$0xa];
	[sflag:s29] =	ssyncadd.s32 $0xFFFFD800  }
0x3c: {  	[spmem:s19] =	stream.linear.scatter [tilespmem:s28], [sflag:$0xB], $0x2800, $0x38;
	[tilespmem:$0x1E100] =	vst v63  }
0x3d: {  	_ =	swait.ge [sflag:s29], $0x2800  }
0x3e: {  	[sflag:s29] =	ssyncset.done $0x0  }
0x3f: {  	s20 =	rddreg [dreg:$0xb];
	[sflag:s29] =	ssyncadd.s32 $0xFFFFD800  }
0x40: {  	[spmem:s20] =	stream.linear.scatter [tilespmem:s28], [sflag:$0xB], $0x2800, $0x38;
	[tilespmem:$0x1E100] =	vst v63  }
0x41: {  	_ =	swait.ge [sflag:s29], $0x2800  }
0x42: {  	[sflag:s29] =	ssyncset.done $0x0  }
0x43: {  	s18 =	rddreg [dreg:$0xc];
	[sflag:s29] =	ssyncadd.s32 $0xFFFFD800  }
0x44: {  	[spmem:s18] =	stream.linear.scatter [tilespmem:s28], [sflag:$0xB], $0x2800, $0x38;
	[tilespmem:$0x1E100] =	vst v63  }
0x45: {  	_ =	swait.ge [sflag:s29], $0x2800  }
0x46: {  	[sflag:s29] =	ssyncset.done $0x0  }
0x47: {  	s19 =	rddreg [dreg:$0xd];
	[sflag:s29] =	ssyncadd.s32 $0xFFFFD800  }
0x48: {  	[spmem:s19] =	stream.linear.scatter [tilespmem:s28], [sflag:$0xB], $0x2800, $0x38;
	[tilespmem:$0x1E100] =	vst v63  }
0x49: {  	_ =	swait.ge [sflag:s29], $0x2800  }
0x4a: {  	[sflag:s29] =	ssyncset.done $0x0  }
0x4b: {  	s20 =	rddreg [dreg:$0xe];
	[sflag:s29] =	ssyncadd.s32 $0xFFFFD800  }
0x4c: {  	[spmem:s20] =	stream.linear.scatter [tilespmem:s28], [sflag:$0xB], $0x2800, $0x38;
	[tilespmem:$0x1E100] =	vst v63  }
0x4d: {  	_ =	swait.ge [sflag:s29], $0x2800  }
0x4e: {  	[sflag:s29] =	ssyncset.done $0x0  }
0x4f: {  	s18 =	rddreg [dreg:$0xf];
	[sflag:s29] =	ssyncadd.s32 $0xFFFFD800  }
0x50: {  	[spmem:s18] =	stream.linear.scatter [tilespmem:s28], [sflag:$0xB], $0x2800, $0x38;
	[tilespmem:$0x1E100] =	vst v63  }
0x51: {  	_ =	swait.ge [sflag:s29], $0x2800  }
0x52: {  	[sflag:s29] =	ssyncset.done $0x0  }
0x53: {  	s19 =	rddreg [dreg:$0x10];
	[sflag:s29] =	ssyncadd.s32 $0xFFFFD800  }
0x54: {  	[spmem:s19] =	stream.linear.scatter [tilespmem:s28], [sflag:$0xB], $0x2800, $0x38;
	[tilespmem:$0x1E100] =	vst v63  }
0x55: {  	_ =	swait.ge [sflag:s29], $0x2800  }
0x56: {  	[sflag:s29] =	ssyncset.done $0x0  }
0x57: {  	[sflag:s29] =	ssyncadd.s32 $0xFFFFD800  }
0x58: {  	_ =	swait.ge [sflag:s30], $0x2710  }
0x59: {  	[sflag:s30] =	ssyncset.done $0x0  }
0x5a: {  	s20 =	simm.s32 $0x0;
	[sflag:s30] =	ssyncadd.s32 $0xFFFFD8F0  }
0x5b: {  	[tilespmem:s28], [sflag:$0x5] =	stream.indirect.gather [hbm4b:s4+s31], $0x80, s20, s31, $0xb8;
	[tilespmem:$0x1E100] =	vst v63  }
0x5c: {  	_ = 	snop  }
0x5d: {  	[tilespmem:s0], [sflag:$0x6] =	stream.indirect.gather [hbm4b:s4+s31], $0x80, s31, s31, $0xb8;
	[tilespmem:$0x1E100] =	vst v63  }
0x5e: {  	s18 =	simm.s32 $0xA0  }
0x5f: {  	[tilespmem:s1], [sflag:$0x7] =	stream.indirect.gather [hbm4b:s4+s31], $0x80, s18, s31, $0xb8;
	[tilespmem:$0x1E100] =	vst v63  }
0x60: {  	[bflag:$0x0] =	sbarrier.arrive $0xFFFF  }
0x61: {  	_ =	swait.ge [sflag:s6], $0x2800  }
0x62: {  	[sflag:s6] =	ssyncset.done $0x0  }
0x63: {  	[sflag:s6] =	ssyncadd.s32 $0xFFFFD800  }
0x64: {  	_ =	swait.ge [sflag:s7], $0x50  }
0x65: {  	[sflag:s7] =	ssyncset.done $0x0  }
0x66: {  	[sflag:s7] =	ssyncadd.s32 $0xFFFFFFB0  }
0x67: {  	[spmem:s2] =	stream.indirect.scatter.add.f32 [tilespmem:s28], [sflag:$0x8], $0x80, s24, s31, $0xb8;
	[tilespmem:$0x1E100] =	vst v63  }
0x68: {  	_ =	swait.ge [sflag:s8], $0x2800  }
0x69: {  	[sflag:s8] =	ssyncset.done $0x0  }
0x6a: {  	[sflag:s8] =	ssyncadd.s32 $0xFFFFD800  }
0x6b: {  	_ =	swait.ge [sflag:s9], $0x50  }
0x6c: {  	[sflag:s9] =	ssyncset.done $0x0  }
0x6d: {  	[sflag:s9] =	ssyncadd.s32 $0xFFFFFFB0  }
0x6e: {  	[spmem:s2] =	stream.indirect.scatter.add.f32 [tilespmem:s0], [sflag:$0x9], $0x80, s25, s31, $0xb8;
	[tilespmem:$0x1E100] =	vst v63  }
0x6f: {  	_ =	swait.ge [sflag:s10], $0x2800  }
0x70: {  	[sflag:s10] =	ssyncset.done $0x0  }
0x71: {  	s19 =	rddreg [dreg:$0x11];
	[sflag:s10] =	ssyncadd.s32 $0xFFFFD800  }
0x72: {  	[tilespmem:s24], [sflag:$0x2] =	stream.linear.gather [hbm4b:s19+s20], $0x50, $0x38;
	[tilespmem:$0x1E100] =	vst v63  }
0x73: {  	s20 =	simm.s32 $0xF0  }
0x74: {  	[tilespmem:s28], [sflag:$0x5] =	stream.indirect.gather [hbm4b:s4+s31], $0x80, s20, s31, $0xb8;
	[tilespmem:$0x1E100] =	vst v63  }
0x75: {  	_ =	swait.ge [sflag:s12], $0x2800  }
0x76: {  	[sflag:s12] =	ssyncset.done $0x0  }
0x77: {  	[sflag:s12] =	ssyncadd.s32 $0xFFFFD800  }
0x78: {  	_ =	swait.ge [sflag:s13], $0x50  }
0x79: {  	[sflag:s13] =	ssyncset.done $0x0  }
0x7a: {  	[sflag:s13] =	ssyncadd.s32 $0xFFFFFFB0  }
0x7b: {  	[spmem:s2] =	stream.indirect.scatter.add.f32 [tilespmem:s1], [sflag:$0xA], $0x80, s26, s31, $0xb8;
	[tilespmem:$0x1E100] =	vst v63  }
0x7c: {  	_ =	swait.ge [sflag:s14], $0x2800  }
0x7d: {  	[sflag:s14] =	ssyncset.done $0x0  }
0x7e: {  	s18 =	sadd.s32 $0x0, s23;
	[sflag:s14] =	ssyncadd.s32 $0xFFFFD800  }
0x7f: {  	[tilespmem:s25], [sflag:$0x3] =	stream.linear.gather [hbm4b:s18+s3], $0x50, $0x38;
	[tilespmem:$0x1E100] =	vst v63  }
0x80: {  	s19 =	simm.s32 $0x140  }
0x81: {  	[tilespmem:s0], [sflag:$0x6] =	stream.indirect.gather [hbm4b:s4+s31], $0x80, s19, s31, $0xb8;
	[tilespmem:$0x1E100] =	vst v63  }
0x82: {  	_ =	swait.ge [sflag:s6], $0x2800  }
0x83: {  	[sflag:s6] =	ssyncset.done $0x0  }
0x84: {  	[sflag:s6] =	ssyncadd.s32 $0xFFFFD800  }
0x85: {  	_ =	swait.ge [sflag:s7], $0x50  }
0x86: {  	[sflag:s7] =	ssyncset.done $0x0  }
0x87: {  	[sflag:s7] =	ssyncadd.s32 $0xFFFFFFB0  }
0x88: {  	[spmem:s2] =	stream.indirect.scatter.add.f32 [tilespmem:s28], [sflag:$0x8], $0x80, s24, s31, $0xb8;
	[tilespmem:$0x1E100] =	vst v63  }
0x89: {  	_ =	swait.ge [sflag:s15], $0x2800  }
0x8a: {  	[sflag:s15] =	ssyncset.done $0x0  }
0x8b: {  	s20 =	sadd.s32 $0x0, s22;
	[sflag:s15] =	ssyncadd.s32 $0xFFFFD800  }
0x8c: {  	[tilespmem:s26], [sflag:$0x4] =	stream.linear.gather [hbm4b:s20+s3], $0x50, $0x38;
	[tilespmem:$0x1E100] =	vst v63  }
0x8d: {  	s18 =	simm.s32 $0x190  }
0x8e: {  	[tilespmem:s1], [sflag:$0x7] =	stream.indirect.gather [hbm4b:s4+s31], $0x80, s18, s31, $0xb8;
	[tilespmem:$0x1E100] =	vst v63  }
0x8f: {  	_ =	swait.ge [sflag:s8], $0x2800  }
0x90: {  	[sflag:s8] =	ssyncset.done $0x0  }
0x91: {  	[sflag:s8] =	ssyncadd.s32 $0xFFFFD800  }
0x92: {  	_ =	swait.ge [sflag:s9], $0x50  }
0x93: {  	[sflag:s9] =	ssyncset.done $0x0  }
0x94: {  	[sflag:s9] =	ssyncadd.s32 $0xFFFFFFB0  }
0x95: {  	[spmem:s2] =	stream.indirect.scatter.add.f32 [tilespmem:s0], [sflag:$0x9], $0x80, s25, s31, $0xb8;
	[tilespmem:$0x1E100] =	vst v63  }
0x96: {  	_ =	swait.ge [sflag:s10], $0x2800  }
0x97: {  	[sflag:s10] =	ssyncset.done $0x0  }
0x98: {  	s19 =	sadd.s32 $0x0, s21;
	[sflag:s10] =	ssyncadd.s32 $0xFFFFD800  }
0x99: {  	[tilespmem:s24], [sflag:$0x2] =	stream.linear.gather [hbm4b:s19+s3], $0x50, $0x38;
	[tilespmem:$0x1E100] =	vst v63  }
0x9a: {  	s20 =	simm.s32 $0x1E0  }
0x9b: {  	[tilespmem:s28], [sflag:$0x5] =	stream.indirect.gather [hbm4b:s4+s31], $0x80, s20, s31, $0xb8;
	[tilespmem:$0x1E100] =	vst v63  }
0x9c: {  	_ =	swait.ge [sflag:s12], $0x2800  }
0x9d: {  	[sflag:s12] =	ssyncset.done $0x0  }
0x9e: {  	[sflag:s12] =	ssyncadd.s32 $0xFFFFD800  }
0x9f: {  	_ =	swait.ge [sflag:s13], $0x50  }
0xa0: {  	[sflag:s13] =	ssyncset.done $0x0  }
0xa1: {  	s17 =	simm.s32 $0x1E;
	s18 =	simm.s32 $0x2D0;
	[sflag:s13] =	ssyncadd.s32 $0xFFFFFFB0  }
.LBB2_4:
0xa2: {  	[spmem:s2] =	stream.indirect.scatter.add.f32 [tilespmem:s1], [sflag:$0xA], $0x80, s26, s31, $0xb8;
	[tilespmem:$0x1E100] =	vst v63  }
0xa3: {  	s19 =	smov.u32 s17  }
0xa4: {  	p0 =	sne.s32 s17, $0x492;
	s17 =	sadd.s32 $0x1E, s17;
	_ =	swait.ge [sflag:s14], $0x2800  }
0xa5: {  	[sflag:s14] =	ssyncset.done $0x0  }
0xa6: {  	s20 =	sadd.s32 s19, s23;
	[sflag:s14] =	ssyncadd.s32 $0xFFFFD800  }
0xa7: {  	[tilespmem:s25], [sflag:$0x3] =	stream.linear.gather [hbm4b:s20+s3], $0x50, $0x38;
	[tilespmem:$0x1E100] =	vst v63  }
0xa8: {  	s20 =	sadd.s32 $0xFFFFFF60, s18  }
0xa9: {  	[tilespmem:s0], [sflag:$0x6] =	stream.indirect.gather [hbm4b:s4+s31], $0x80, s20, s31, $0xb8;
	[tilespmem:$0x1E100] =	vst v63  }
0xaa: {  	_ =	swait.ge [sflag:s6], $0x2800  }
0xab: {  	[sflag:s6] =	ssyncset.done $0x0  }
0xac: {  	[sflag:s6] =	ssyncadd.s32 $0xFFFFD800  }
0xad: {  	_ =	swait.ge [sflag:s7], $0x50  }
0xae: {  	[sflag:s7] =	ssyncset.done $0x0  }
0xaf: {  	[sflag:s7] =	ssyncadd.s32 $0xFFFFFFB0  }
0xb0: {  	[spmem:s2] =	stream.indirect.scatter.add.f32 [tilespmem:s28], [sflag:$0x8], $0x80, s24, s31, $0xb8;
	[tilespmem:$0x1E100] =	vst v63  }
0xb1: {  	_ =	swait.ge [sflag:s15], $0x2800  }
0xb2: {  	[sflag:s15] =	ssyncset.done $0x0  }
0xb3: {  	s20 =	sadd.s32 s19, s22;
	[sflag:s15] =	ssyncadd.s32 $0xFFFFD800  }
0xb4: {  	[tilespmem:s26], [sflag:$0x4] =	stream.linear.gather [hbm4b:s20+s3], $0x50, $0x38;
	[tilespmem:$0x1E100] =	vst v63  }
0xb5: {  	s20 =	sadd.s32 $0xFFFFFFB0, s18  }
0xb6: {  	[tilespmem:s1], [sflag:$0x7] =	stream.indirect.gather [hbm4b:s4+s31], $0x80, s20, s31, $0xb8;
	[tilespmem:$0x1E100] =	vst v63  }
0xb7: {  	_ =	swait.ge [sflag:s8], $0x2800  }
0xb8: {  	[sflag:s8] =	ssyncset.done $0x0  }
0xb9: {  	[sflag:s8] =	ssyncadd.s32 $0xFFFFD800  }
0xba: {  	_ =	swait.ge [sflag:s9], $0x50  }
0xbb: {  	[sflag:s9] =	ssyncset.done $0x0  }
0xbc: {  	[sflag:s9] =	ssyncadd.s32 $0xFFFFFFB0  }
0xbd: {  	[spmem:s2] =	stream.indirect.scatter.add.f32 [tilespmem:s0], [sflag:$0x9], $0x80, s25, s31, $0xb8;
	[tilespmem:$0x1E100] =	vst v63  }
0xbe: {  	_ =	swait.ge [sflag:s10], $0x2800  }
0xbf: {  	[sflag:s10] =	ssyncset.done $0x0  }
0xc0: {  	s19 =	sadd.s32 s19, s21;
	[sflag:s10] =	ssyncadd.s32 $0xFFFFD800  }
0xc1: {  	[tilespmem:s24], [sflag:$0x2] =	stream.linear.gather [hbm4b:s19+s3], $0x50, $0x38;
	[tilespmem:$0x1E100] =	vst v63  }
0xc2: {  	_ = 	snop  }
0xc3: {  	[tilespmem:s28], [sflag:$0x5] =	stream.indirect.gather [hbm4b:s4+s31], $0x80, s18, s31, $0xb8;
	[tilespmem:$0x1E100] =	vst v63  }
0xc4: {  	_ =	swait.ge [sflag:s12], $0x2800  }
.Ltmp1:
0xc5: {  	[sflag:s12] =	ssyncset.done $0x0;
	(pc) =	sbr.rel @p0 .LBB2_4-.Ltmp1, $4  }
0xc6: {  	[sflag:s12] =	ssyncadd.s32 $0xFFFFD800  }
0xc7: {  	_ =	swait.ge [sflag:s13], $0x50  }
0xc8: {  	[sflag:s13] =	ssyncset.done $0x0  }
0xc9: {  	s18 =	sadd.s32 $0xF0, s18;
	[sflag:s13] =	ssyncadd.s32 $0xFFFFFFB0  }
0xca: {  	[spmem:s2] =	stream.indirect.scatter.add.f32 [tilespmem:s1], [sflag:$0xA], $0x80, s26, s31, $0xb8;
	[tilespmem:$0x1E100] =	vst v63  }
0xcb: {  	_ =	swait.ge [sflag:s14], $0x2800  }
0xcc: {  	[sflag:s14] =	ssyncset.done $0x0  }
0xcd: {  	s17 =	rddreg [dreg:$0x7];
	[sflag:s14] =	ssyncadd.s32 $0xFFFFD800  }
0xce: {  	[tilespmem:s25], [sflag:$0x3] =	stream.linear.gather [hbm4b:s17+s3], $0x50, $0x38;
	[tilespmem:$0x1E100] =	vst v63  }
0xcf: {  	s18 =	simm.s32 $0x26C0  }
0xd0: {  	[tilespmem:s0], [sflag:$0x6] =	stream.indirect.gather [hbm4b:s4+s31], $0x80, s18, s31, $0xb8;
	[tilespmem:$0x1E100] =	vst v63  }
0xd1: {  	_ =	swait.ge [sflag:s6], $0x2800  }
0xd2: {  	[sflag:s6] =	ssyncset.done $0x0  }
0xd3: {  	[sflag:s6] =	ssyncadd.s32 $0xFFFFD800  }
0xd4: {  	_ =	swait.ge [sflag:s7], $0x50  }
0xd5: {  	[sflag:s7] =	ssyncset.done $0x0  }
0xd6: {  	[sflag:s7] =	ssyncadd.s32 $0xFFFFFFB0  }
0xd7: {  	[spmem:s2] =	stream.indirect.scatter.add.f32 [tilespmem:s28], [sflag:$0x8], $0x80, s24, s31, $0xb8;
	[tilespmem:$0x1E100] =	vst v63  }
0xd8: {  	_ =	swait.ge [sflag:s8], $0x2800  }
0xd9: {  	[sflag:s8] =	ssyncset.done $0x0  }
0xda: {  	[sflag:s8] =	ssyncadd.s32 $0xFFFFD800  }
0xdb: {  	_ =	swait.ge [sflag:s9], $0x50  }
0xdc: {  	[sflag:s9] =	ssyncset.done $0x0  }
0xdd: {  	[sflag:s9] =	ssyncadd.s32 $0xFFFFFFB0  }
0xde: {  	[spmem:s2] =	stream.indirect.scatter.add.f32 [tilespmem:s0], [sflag:$0x9], $0x80, s25, s31, $0xb8;
	[tilespmem:$0x1E100] =	vst v63  }
0xdf: {  	_ =	swait.ge [sflag:s15], $0x2800  }
0xe0: {  	[sflag:s15] =	ssyncset.done $0x0  }
0xe1: {  	[sflag:s15] =	ssyncadd.s32 $0xFFFFD800  }
0xe2: {  	_ =	swait.ge [sflag:s10], $0x2800  }
0xe3: {  	[sflag:s10] =	ssyncset.done $0x0  }
0xe4: {  	[sflag:s10] =	ssyncadd.s32 $0xFFFFD800  }
0xe5: {  	_ =	swait.ge [sflag:s14], $0x2800  }
0xe6: {  	[sflag:s14] =	ssyncset.done $0x0  }
0xe7: {  	s19 =	stileid.u32;
	[sflag:s14] =	ssyncadd.s32 $0xFFFFD800  }
0xe8: {  	s17 =	sshll.u32 s19, $0x6;
	[bflag:$0x0] =	sbarrier.arrive $0xFFFF  }
0xe9: {  	s17 =	sor.u32 $0x1C0B, s17;
	s18 =	sshrl.u32 s11, $0x3;
	s19 =	rddreg [dreg:$0x8]  }
0xea: {  	[hbm:s19], [sflag:s17] =	dma.local [spmem:s18], $0x2800  }
0xeb: {  	_ =	swait.ge [sflag:s29], $0x2800  }
0xec: {  	s16 =	sadd.s32 $0x1, s16;
	s20 =	rddreg [dreg:$0x9]  }
0xed: {  	p0 =	sne.s32 s16, s20  }
.Ltmp2:
0xee: {  	_ = 	snop;
	(pc) =	sbr.rel @p0 .LBB2_1-.Ltmp2, $3  }
0xef: {  	_ =	sdelay $0x1  }
0xf0: {  	[sflag:s29] =	ssyncset.done $0x0  }
0xf1: {  	[sflag:s29] =	ssyncadd.s32 $0xFFFFD800  }
0xf2: {  	_ =	sfence.sel $0x180000  }
0xf3: {  	[bflag:$0x0] =	sbarrier.arrive $0xFFFF  }
0xf4: {  	_ =	strace $0x9000004A  }
0xf5: {  	s0 =	stileid.u32;
	[bflag:$0x2] =	sbarrier.arrive $0xFFFF  }
0xf6: {  	p0 =	sne.s32 s0, $0x0;
	s0 =	rddreg [dreg:$0x3]  }
0xf7: {  	s0 =	sadd.s32 @!p0 $0x100000, s0  }
0xf8: {  	[sflag:s0] =	ssyncadd.tile.s32 @!p0 $0x1;
	_ =	shalt  }
.Lfunc_end2:
_tile_overlayer_lowered:
.L_overlay_start_2:
0xf9: {  	(tag) =	ssettag $0x2  }
0xfa: {  	s0 =	rddreg [dreg:$0x0];
	s2 =	stileid.u32  }
0xfb: {  	s1 =	rddreg [dreg:$0x1];
	p0 =	sne.s32 s2, $0x0  }
0xfc: {  	s3 =	rddreg [dreg:$0x2];
	[bflag:$0x3] =	sbarrier.arrive $0xFFFF;
	s2 =	simm.s32 @!p0 $0x1C0B  }
0xfd: {  	[timem:s3], [sflag:s2] =	dma.local @!p0 [hbm:s0], s1  }
0xfe: {  	s0 =	simm.s32 @!p0 $0xB  }
0xff: {  	_ =	swait.ge @!p0 [sflag:s0], s1  }
0x100: {  	s1 =	ssub.s32 @!p0 $0x0, s1;
	[sflag:s0] =	ssyncset.done @!p0 $0x0  }
0x101: {  	[sflag:s0] =	ssyncadd.s32 @!p0 s1  }
0x102: {  	[bflag:$0x3] =	sbarrier.arrive $0xFFFF  }
0x103: {  	_ =	shalt  }

</sc_bundles>
